<compile_context>
chip_gen: v7x
topology: tpu7x:2x2x1
jax: 0.10.2.dev20260603
libtpu: 0.0.44.dev20260713+nightly
codegen_flags: <defaults>
</compile_context>

<pallas_src>
import numpy as np
import jax
import jax.numpy as jnp
from jax import lax
from jax.experimental import pallas as pl
from jax.experimental.pallas import tpu as pltpu
from jax.experimental.pallas import tpu_sc as plsc

NV = 2048
NE = 32768
Q = NV // 2
QW = Q * Q
NS = 16
NC = 2
EPT = NE // NS
CHUNK_EDGES = 64
CH = 2 * CHUNK_EDGES
NCHUNK = EPT // CHUNK_EDGES
TPW = QW // NS

_N = 33
_n = np.arange(_N, dtype=np.float64)
_x = np.cos(np.pi * (_n + 0.5) / _N)
_kern = np.exp(-2.5 * (_x + 1.0))
_c = np.array([(2.0 / _N) * np.sum(np.cos(np.pi * o * (_n + 0.5) / _N) * _kern)
               for o in range(_N)])
COEF_I = float(0.5 * _c[0] + _c[4::4].sum() - _c[2::4].sum())
COEF_M = float(_c[1] + _c[5::4].sum() - _c[3::4].sum())
COEF_P = float(2.0 * (_c[2::4].sum() + _c[3::4].sum()))
SCALE = float(np.sqrt(NV))


def _sc_scatter_body(ei, ew, zeros, a_out, degp_out,
                     r_v, c_v, w_v, idx_v, didx_v, val0_v, val1_v, dv_v,
                     a_sh, deg_sh, sem_a, sem_d, sem_z):
    cid = lax.axis_index("c")
    sid = lax.axis_index("s")
    base = sid * EPT

    pltpu.sync_copy(ei.at[0, pl.ds(base, EPT)], r_v)
    pltpu.sync_copy(ei.at[1, pl.ds(base, EPT)], c_v)
    pltpu.sync_copy(ew.at[pl.ds(base, EPT)], w_v)
    pltpu.sync_copy(zeros.at[pl.ds(sid * (NV // NS), NV // NS)],
                    deg_sh.at[pl.ds(sid * (NV // NS), NV // NS)])
    zcopy = pltpu.make_async_copy(zeros, a_sh.at[pl.ds(sid * TPW, TPW)], sem_z)
    zcopy.start()
    plsc.subcore_barrier()

    def chunk_body(j, carry):
        for v in range(CHUNK_EDGES // 16):
            off = j * CHUNK_EDGES + v * 16
            r16 = r_v[pl.ds(off, 16)]
            c16 = c_v[pl.ds(off, 16)]
            w16 = w_v[pl.ds(off, 16)]
            for d in range(2):
                row = r16 if d == 0 else c16
                col = c16 if d == 0 else r16
                incol = lax.shift_right_logical(col, 10) == cid
                rhalf = lax.shift_right_logical(row, 10)
                hw = jnp.where(incol, w16 * 0.5, 0.0)
                v0 = jnp.where(rhalf == 0, hw, 0.0)
                lidx = lax.shift_left(row & (Q - 1), 10) | (col & (Q - 1))
                ent = d * CHUNK_EDGES + v * 16
                idx_v[j, pl.ds(ent, 16)] = lidx
                didx_v[j, pl.ds(ent, 16)] = row
                val0_v[j, pl.ds(ent, 16)] = v0
                val1_v[j, pl.ds(ent, 16)] = hw - v0
                dv_v[j, pl.ds(ent, 16)] = hw
        pltpu.async_copy(dv_v.at[j], deg_sh.at[didx_v.at[j]], sem_d, add=True)
        return carry

    lax.fori_loop(0, NCHUNK, chunk_body, 0)

    for p, val_v in ((0, val0_v), (1, val1_v)):
        if p == 0:
            zcopy.wait()
        else:
            pltpu.sync_copy(zeros, a_sh.at[pl.ds(sid * TPW, TPW)])
        plsc.subcore_barrier()

        def fire_body(j, carry):
            pltpu.async_copy(val_v.at[j], a_sh.at[idx_v.at[j]], sem_a, add=True)
            return carry

        lax.fori_loop(0, NCHUNK, fire_body, 0)

        def drain_body(j, carry):
            pltpu.make_async_copy(val_v.at[j], a_sh.at[idx_v.at[j]], sem_a).wait()
            return carry

        lax.fori_loop(0, NCHUNK, drain_body, 0)
        plsc.subcore_barrier()
        pltpu.sync_copy(a_sh.at[pl.ds(sid * TPW, TPW)], a_out.at[p, cid, sid])
        plsc.subcore_barrier()

    def deg_drain(j, carry):
        pltpu.make_async_copy(dv_v.at[j], deg_sh.at[didx_v.at[j]], sem_d).wait()
        return carry

    lax.fori_loop(0, NCHUNK, deg_drain, 0)
    plsc.subcore_barrier()

    @pl.when(sid == 0)
    def _():
        pltpu.sync_copy(deg_sh, degp_out.at[cid])


def _sc_scatter(ei, ew, zeros):
    mesh = plsc.VectorSubcoreMesh(core_axis_name="c", subcore_axis_name="s")
    f = pl.kernel(
        _sc_scatter_body,
        out_type=[
            jax.ShapeDtypeStruct((2, NC, NS, TPW), jnp.float32),
            jax.ShapeDtypeStruct((NC, NV), jnp.float32),
        ],
        mesh=mesh,
        scratch_types=[
            pltpu.VMEM((EPT,), jnp.int32),
            pltpu.VMEM((EPT,), jnp.int32),
            pltpu.VMEM((EPT,), jnp.float32),
            pltpu.VMEM((NCHUNK, CH), jnp.int32),
            pltpu.VMEM((NCHUNK, CH), jnp.int32),
            pltpu.VMEM((NCHUNK, CH), jnp.float32),
            pltpu.VMEM((NCHUNK, CH), jnp.float32),
            pltpu.VMEM((NCHUNK, CH), jnp.float32),
            pltpu.VMEM_SHARED((QW,), jnp.float32),
            pltpu.VMEM_SHARED((NV,), jnp.float32),
            pltpu.SemaphoreType.DMA,
            pltpu.SemaphoreType.DMA,
            pltpu.SemaphoreType.DMA,
        ],
    )
    return f(ei, ew, zeros)


BI = BJ = 1024
NI = NV // BI
NJ = NV // BJ
BPQ = max(Q // BI, 1)


def _prescale_body(a, degp, outb):
    qc = pl.program_id(1)
    degk = degp[0, pl.ds(qc * Q, Q)] + degp[1, pl.ds(qc * Q, Q)]
    dinv2 = jnp.where(degk > 0, 1.0 / degk, 0.0)
    rows = TPW // Q
    for s in range(NS):
        x = a[0, 0, s].reshape(rows, Q) * dinv2[None, :]
        outb[0, 0, pl.ds(s * rows, rows), :] = x.astype(jnp.bfloat16)


def _prescale_call(a4, degp):
    return pl.pallas_call(
        _prescale_body,
        grid=(2, 2),
        in_specs=[
            pl.BlockSpec((1, 1, NS, TPW), lambda qr, qc: (qr, qc, 0, 0)),
            pl.BlockSpec((NC, NV), lambda qr, qc: (0, 0)),
        ],
        out_specs=pl.BlockSpec((1, 1, Q, Q), lambda qr, qc: (qr, qc, 0, 0)),
        out_shape=jax.ShapeDtypeStruct((2, 2, Q, Q), jnp.bfloat16),
        compiler_params=pltpu.CompilerParams(
            dimension_semantics=("parallel", "parallel")),
    )(a4, degp)


def _mm_body(lhs, rhs, aij, degp, out):
    i = pl.program_id(0)
    j = pl.program_id(1)

    acc = (jnp.dot(lhs[0, 0], rhs[0, 0], preferred_element_type=jnp.float32)
           + jnp.dot(lhs[0, 1], rhs[1, 0], preferred_element_type=jnp.float32))

    degi = degp[0, pl.ds(i * BI, BI)] + degp[1, pl.ds(i * BI, BI)]
    degj = degp[0, pl.ds(j * BJ, BJ)] + degp[1, pl.ds(j * BJ, BJ)]
    dinvi = jnp.where(degi > 0, lax.rsqrt(degi), 0.0)
    sdj = jnp.sqrt(degj)
    rows = i * BI + lax.broadcasted_iota(jnp.int32, (BI, BJ), 0)
    cols = j * BJ + lax.broadcasted_iota(jnp.int32, (BI, BJ), 1)
    eye = (rows == cols).astype(jnp.float32)
    dd = dinvi[:, None] * sdj[None, :]
    out[...] = SCALE * (dd * (COEF_P * acc
                              - COEF_M * aij[0, 0].astype(jnp.float32))
                        + COEF_I * eye)


def _mm_call(ascb, degp):
    return pl.pallas_call(
        _mm_body,
        grid=(NI, NJ),
        in_specs=[
            pl.BlockSpec((1, 2, BI, Q), lambda i, j: (i // BPQ, 0, i % BPQ, 0)),
            pl.BlockSpec((2, 1, Q, BJ), lambda i, j: (0, j // BPQ, 0, j % BPQ)),
            pl.BlockSpec((1, 1, BI, BJ),
                         lambda i, j: (i // BPQ, j // BPQ, i % BPQ, j % BPQ)),
            pl.BlockSpec((NC, NV), lambda i, j: (0, 0)),
        ],
        out_specs=pl.BlockSpec((BI, BJ), lambda i, j: (i, j)),
        out_shape=jax.ShapeDtypeStruct((NV, NV), jnp.float32),
        compiler_params=pltpu.CompilerParams(
            dimension_semantics=("parallel", "parallel")),
    )(ascb, ascb, ascb, degp)


@jax.jit
def kernel(edge_index, edge_weight):
    zeros = jnp.zeros((TPW,), jnp.float32)
    a4, degp = _sc_scatter(edge_index, edge_weight, zeros)
    ascb = _prescale_call(a4, degp)
    out = _mm_call(ascb, degp)
    return out.reshape(1, NV, NV)

# --- scband reference (transcript-rebuilt; emitter-appended) ---
"""Pipeline reference for scband-filter-29042568855669 (READ-ONLY COPY).

The authoritative reference and input builder live on the scoring server;
editing this copy changes nothing except your own understanding.
"""

import jax, jax.numpy as jnp
import numpy as np

N_VERT = 2048
N_EDGE = 32768
CHEB_ORDER = 32
LMAX = 2.0


def _kernel(x):
    # heat-kernel filter bank with a single filter (nf = 1)
    return jnp.exp(-5.0 * x / LMAX).reshape(-1, 1)


def _build_laplacian(edge_index, edge_weight):
    # scatter-add edge weights into a dense adjacency, symmetrize,
    # then form the symmetric-normalized Laplacian (lmax <= 2)
    A = jnp.zeros((N_VERT, N_VERT), dtype=jnp.float32)
    A = A.at[edge_index[0], edge_index[1]].add(edge_weight)
    A = 0.5 * (A + A.T)
    deg = jnp.sum(A, axis=1)
    dinv = jnp.where(deg > 0, 1.0 / jnp.sqrt(deg), 0.0)
    L = jnp.eye(N_VERT, dtype=jnp.float32) - (dinv[:, None] * A) * dinv[None, :]
    return L


def _compute_cheby_coeff(m):
    N = m + 1
    a1 = LMAX / 2.0
    a2 = LMAX / 2.0
    tmpN = jnp.arange(N, dtype=jnp.float32)
    num = jnp.cos(np.pi * (tmpN + 0.5) / N)
    rows = []
    for o in range(m + 1):
        w = jnp.cos(np.pi * o * (tmpN + 0.5) / N).reshape(1, -1)
        rows.append((2.0 / N) * (w @ _kernel(a1 * num + a2)))
    return jnp.concatenate(rows, axis=0)  # [m+1, nf]


def _cheby_op(c, L):
    M = c.shape[0]
    nf = c.shape[1]
    a1 = LMAX / 2.0
    a2 = LMAX / 2.0
    I = jnp.eye(N_VERT, dtype=jnp.float32)
    twf_old = I
    twf_cur = (L - a2 * I) / a1
    r = [0.5 * c[0, i] * twf_old + c[1, i] * twf_cur for i in range(nf)]
    factor = (2.0 / a1) * (L - a2 * I)
    # NOTE: the original torch code computes spspmm(factor, twf_cur) ONCE
    # before the loop and never refreshes it inside the loop; we replicate
    # that behavior faithfully.
    fmt = factor @ twf_cur
    for k in range(2, M):
        twf_new = fmt - twf_old
        for i in range(nf):
            r[i] = r[i] + c[k, i] * twf_new
        twf_old, twf_cur = twf_cur, twf_new
    scale = float(np.sqrt(N_VERT))
    return jnp.stack([ri * scale for ri in r], axis=0)  # [nf, N, N]


def setup_inputs(seed: int = 0):
    key = jax.random.key(seed)
    k1, k2 = jax.random.split(key)
    edge_index = jax.random.randint(k1, (2, N_EDGE), 0, N_VERT, dtype=jnp.int32)
    edge_weight = jax.random.uniform(k2, (N_EDGE,), dtype=jnp.float32)
    return {"edge_index": edge_index, "edge_weight": edge_weight}


def reference(edge_index, edge_weight):
    L = _build_laplacian(edge_index, edge_weight)
    c = _compute_cheby_coeff(CHEB_ORDER)
    return _cheby_op(c, L)

if __name__ == "__main__":
    import jax
    _d = setup_inputs()
    print(jax.jit(kernel)(*tuple(_d.values())))

</pallas_src>

<mosaic_0001>
#map = affine_map<(d0, d1) -> (0, 0)>
#map1 = affine_map<(d0, d1) -> (0)>
#map2 = affine_map<(d0, d1) -> (0, 0, 0, 0)>
module attributes {stable_mosaic.version = 14 : i64} {
  func.func @_sc_scatter_body(%arg0: i32, %arg1: i32, %arg2: memref<2x32768xi32, #tpu.memory_space<hbm>>, %arg3: memref<32768xf32, #tpu.memory_space<hbm>>, %arg4: memref<65536xf32, #tpu.memory_space<hbm>>, %arg5: memref<2x2x16x65536xf32, #tpu.memory_space<hbm>>, %arg6: memref<2x2048xf32, #tpu.memory_space<hbm>>, %arg7: memref<2048xi32, #tpu.memory_space<vmem>>, %arg8: memref<2048xi32, #tpu.memory_space<vmem>>, %arg9: memref<2048xf32, #tpu.memory_space<vmem>>, %arg10: memref<32x128xi32, #tpu.memory_space<vmem>>, %arg11: memref<32x128xi32, #tpu.memory_space<vmem>>, %arg12: memref<32x128xf32, #tpu.memory_space<vmem>>, %arg13: memref<32x128xf32, #tpu.memory_space<vmem>>, %arg14: memref<32x128xf32, #tpu.memory_space<vmem>>, %arg15: memref<1048576xf32, #tpu.memory_space<vmem_shared>>, %arg16: memref<2048xf32, #tpu.memory_space<vmem_shared>>, %arg17: memref<!tpu.dma_semaphore, #tpu.memory_space<semaphore_mem>>, %arg18: memref<!tpu.dma_semaphore, #tpu.memory_space<semaphore_mem>>, %arg19: memref<!tpu.dma_semaphore, #tpu.memory_space<semaphore_mem>>) attributes {dimension_semantics = [#tpu.dimension_semantics<core_parallel>, #tpu.dimension_semantics<subcore_parallel>], iteration_bounds = array<i64: 2, 16>, scalar_prefetch = 0 : i64, scratch_operands = 13 : i64, tpu.core_type = #tpu.core_type<sc_vector_subcore>, window_params = [{transform_indices = #map}, {transform_indices = #map1}, {transform_indices = #map1}, {transform_indices = #map2}, {transform_indices = #map}]} {
    %mul3A = arith.constant 2048 : i32
    %mul3A_0 = arith.muli %arg1, %mul3A : i32
    %run_scoped3A = arith.constant 0 : i32
    "tpu.region"() ({
      %run_scoped3A_60 = tpu.sem_alloc : memref<!tpu.dma_semaphore, #tpu.memory_space<semaphore_mem>>
      %dma_start3A_61 = tpu.memref_slice %arg2[%run_scoped3A, %mul3A_0] : memref<2x32768xi32, #tpu.memory_space<hbm>> -> memref<1x2048xi32, #tpu.memory_space<hbm>>
      %dma_start3A_62 = tpu.memref_squeeze %dma_start3A_61 : memref<1x2048xi32, #tpu.memory_space<hbm>> -> memref<2048xi32, #tpu.memory_space<hbm>>
      %dma_start3A_63 = tpu.memref_slice %arg2[%run_scoped3A, %mul3A_0] : memref<2x32768xi32, #tpu.memory_space<hbm>> -> memref<1x2048xi32, #tpu.memory_space<hbm>>
      %dma_start3A_64 = tpu.memref_squeeze %dma_start3A_63 : memref<1x2048xi32, #tpu.memory_space<hbm>> -> memref<2048xi32, #tpu.memory_space<hbm>>
      tpu.enqueue_dma source(%dma_start3A_64 : memref<2048xi32, #tpu.memory_space<hbm>>) target(%arg7 : memref<2048xi32, #tpu.memory_space<vmem>>) target_semaphore(%run_scoped3A_60 : memref<!tpu.dma_semaphore, #tpu.memory_space<semaphore_mem>>)
      %dma_wait3A_65 = tpu.memref_slice %arg2[%run_scoped3A, %mul3A_0] : memref<2x32768xi32, #tpu.memory_space<hbm>> -> memref<1x2048xi32, #tpu.memory_space<hbm>>
      %dma_wait3A_66 = tpu.memref_squeeze %dma_wait3A_65 : memref<1x2048xi32, #tpu.memory_space<hbm>> -> memref<2048xi32, #tpu.memory_space<hbm>>
      %dma_wait3A_67 = tpu.memref_slice %arg2[%run_scoped3A, %mul3A_0] : memref<2x32768xi32, #tpu.memory_space<hbm>> -> memref<1x2048xi32, #tpu.memory_space<hbm>>
      %dma_wait3A_68 = tpu.memref_squeeze %dma_wait3A_67 : memref<1x2048xi32, #tpu.memory_space<hbm>> -> memref<2048xi32, #tpu.memory_space<hbm>>
      tpu.wait_dma2 semaphore(%run_scoped3A_60 : memref<!tpu.dma_semaphore, #tpu.memory_space<semaphore_mem>>) src(%dma_wait3A_68 : memref<2048xi32, #tpu.memory_space<hbm>>) dst(%arg7 : memref<2048xi32, #tpu.memory_space<vmem>>)
      tpu.yield
    }) : () -> ()
    %run_scoped3A_1 = arith.constant 1 : i32
    "tpu.region"() ({
      %run_scoped3A_60 = tpu.sem_alloc : memref<!tpu.dma_semaphore, #tpu.memory_space<semaphore_mem>>
      %dma_start3A_61 = tpu.memref_slice %arg2[%run_scoped3A_1, %mul3A_0] : memref<2x32768xi32, #tpu.memory_space<hbm>> -> memref<1x2048xi32, #tpu.memory_space<hbm>>
      %dma_start3A_62 = tpu.memref_squeeze %dma_start3A_61 : memref<1x2048xi32, #tpu.memory_space<hbm>> -> memref<2048xi32, #tpu.memory_space<hbm>>
      %dma_start3A_63 = tpu.memref_slice %arg2[%run_scoped3A_1, %mul3A_0] : memref<2x32768xi32, #tpu.memory_space<hbm>> -> memref<1x2048xi32, #tpu.memory_space<hbm>>
      %dma_start3A_64 = tpu.memref_squeeze %dma_start3A_63 : memref<1x2048xi32, #tpu.memory_space<hbm>> -> memref<2048xi32, #tpu.memory_space<hbm>>
      tpu.enqueue_dma source(%dma_start3A_64 : memref<2048xi32, #tpu.memory_space<hbm>>) target(%arg8 : memref<2048xi32, #tpu.memory_space<vmem>>) target_semaphore(%run_scoped3A_60 : memref<!tpu.dma_semaphore, #tpu.memory_space<semaphore_mem>>)
      %dma_wait3A_65 = tpu.memref_slice %arg2[%run_scoped3A_1, %mul3A_0] : memref<2x32768xi32, #tpu.memory_space<hbm>> -> memref<1x2048xi32, #tpu.memory_space<hbm>>
      %dma_wait3A_66 = tpu.memref_squeeze %dma_wait3A_65 : memref<1x2048xi32, #tpu.memory_space<hbm>> -> memref<2048xi32, #tpu.memory_space<hbm>>
      %dma_wait3A_67 = tpu.memref_slice %arg2[%run_scoped3A_1, %mul3A_0] : memref<2x32768xi32, #tpu.memory_space<hbm>> -> memref<1x2048xi32, #tpu.memory_space<hbm>>
      %dma_wait3A_68 = tpu.memref_squeeze %dma_wait3A_67 : memref<1x2048xi32, #tpu.memory_space<hbm>> -> memref<2048xi32, #tpu.memory_space<hbm>>
      tpu.wait_dma2 semaphore(%run_scoped3A_60 : memref<!tpu.dma_semaphore, #tpu.memory_space<semaphore_mem>>) src(%dma_wait3A_68 : memref<2048xi32, #tpu.memory_space<hbm>>) dst(%arg8 : memref<2048xi32, #tpu.memory_space<vmem>>)
      tpu.yield
    }) : () -> ()
    "tpu.region"() ({
      %run_scoped3A_60 = tpu.sem_alloc : memref<!tpu.dma_semaphore, #tpu.memory_space<semaphore_mem>>
      %dma_start3A_61 = tpu.memref_slice %arg3[%mul3A_0] : memref<32768xf32, #tpu.memory_space<hbm>> -> memref<2048xf32, #tpu.memory_space<hbm>>
      %dma_start3A_62 = tpu.memref_slice %arg3[%mul3A_0] : memref<32768xf32, #tpu.memory_space<hbm>> -> memref<2048xf32, #tpu.memory_space<hbm>>
      tpu.enqueue_dma source(%dma_start3A_62 : memref<2048xf32, #tpu.memory_space<hbm>>) target(%arg9 : memref<2048xf32, #tpu.memory_space<vmem>>) target_semaphore(%run_scoped3A_60 : memref<!tpu.dma_semaphore, #tpu.memory_space<semaphore_mem>>)
      %dma_wait3A_63 = tpu.memref_slice %arg3[%mul3A_0] : memref<32768xf32, #tpu.memory_space<hbm>> -> memref<2048xf32, #tpu.memory_space<hbm>>
      %dma_wait3A_64 = tpu.memref_slice %arg3[%mul3A_0] : memref<32768xf32, #tpu.memory_space<hbm>> -> memref<2048xf32, #tpu.memory_space<hbm>>
      tpu.wait_dma2 semaphore(%run_scoped3A_60 : memref<!tpu.dma_semaphore, #tpu.memory_space<semaphore_mem>>) src(%dma_wait3A_64 : memref<2048xf32, #tpu.memory_space<hbm>>) dst(%arg9 : memref<2048xf32, #tpu.memory_space<vmem>>)
      tpu.yield
    }) : () -> ()
    %mul3A_2 = arith.constant 128 : i32
    %mul3A_3 = arith.muli %arg1, %mul3A_2 : i32
    %mul3A_4 = arith.constant 128 : i32
    %mul3A_5 = arith.muli %arg1, %mul3A_4 : i32
    "tpu.region"() ({
      %run_scoped3A_60 = tpu.sem_alloc : memref<!tpu.dma_semaphore, #tpu.memory_space<semaphore_mem>>
      %dma_start3A_61 = tpu.memref_slice %arg16[%mul3A_5] : memref<2048xf32, #tpu.memory_space<vmem_shared>> -> memref<128xf32, #tpu.memory_space<vmem_shared>>
      %dma_start3A_62 = tpu.memref_slice %arg4[%mul3A_3] : memref<65536xf32, #tpu.memory_space<hbm>> -> memref<128xf32, #tpu.memory_space<hbm>>
      tpu.enqueue_dma source(%dma_start3A_62 : memref<128xf32, #tpu.memory_space<hbm>>) target(%dma_start3A_61 : memref<128xf32, #tpu.memory_space<vmem_shared>>) target_semaphore(%run_scoped3A_60 : memref<!tpu.dma_semaphore, #tpu.memory_space<semaphore_mem>>)
      %dma_wait3A_63 = tpu.memref_slice %arg16[%mul3A_5] : memref<2048xf32, #tpu.memory_space<vmem_shared>> -> memref<128xf32, #tpu.memory_space<vmem_shared>>
      %dma_wait3A_64 = tpu.memref_slice %arg4[%mul3A_3] : memref<65536xf32, #tpu.memory_space<hbm>> -> memref<128xf32, #tpu.memory_space<hbm>>
      tpu.wait_dma2 semaphore(%run_scoped3A_60 : memref<!tpu.dma_semaphore, #tpu.memory_space<semaphore_mem>>) src(%dma_wait3A_64 : memref<128xf32, #tpu.memory_space<hbm>>) dst(%dma_wait3A_63 : memref<128xf32, #tpu.memory_space<vmem_shared>>)
      tpu.yield
    }) : () -> ()
    %mul3A_6 = arith.constant 65536 : i32
    %mul3A_7 = arith.muli %arg1, %mul3A_6 : i32
    %dma_start3A = tpu.memref_slice %arg15[%mul3A_7] : memref<1048576xf32, #tpu.memory_space<vmem_shared>> -> memref<65536xf32, #tpu.memory_space<vmem_shared>>
    tpu.enqueue_dma source(%arg4 : memref<65536xf32, #tpu.memory_space<hbm>>) target(%dma_start3A : memref<65536xf32, #tpu.memory_space<vmem_shared>>) target_semaphore(%arg19 : memref<!tpu.dma_semaphore, #tpu.memory_space<semaphore_mem>>)
    %barrier3A = arith.constant 0 : index
    tpu.barrier barrier_id(%barrier3A)
    %scan3A = arith.constant 0 : i32
    %scan3A_8 = arith.constant 0 : i32
    %scan3A_9 = arith.constant 32 : i32
    %scan3A_10 = arith.addi %scan3A_8, %scan3A_9 : i32
    %scan3A_11 = arith.constant 1 : i32
    scf.for %scan3A_60 = %scan3A_8 to %scan3A_10 step %scan3A_11  : i32 {
      %mul3A_61 = arith.constant 64 : i32
      %mul3A_62 = arith.muli %scan3A_60, %mul3A_61 : i32
      %add3A = arith.constant 0 : i32
      %add3A_63 = arith.addi %mul3A_62, %add3A : i32
      %get3A = arith.index_cast %add3A_63 : i32 to index
      %get3A_64 = tpu.vector_load %arg7[%get3A] {strides = array<i32>} : memref<2048xi32, #tpu.memory_space<vmem>>, vector<16xi32>,
      %get3A_65 = vector.shape_cast %get3A_64 : vector<16xi32> to vector<16xi32>
      %get3A_66 = arith.index_cast %add3A_63 : i32 to index
      %get3A_67 = tpu.vector_load %arg8[%get3A_66] {strides = array<i32>} : memref<2048xi32, #tpu.memory_space<vmem>>, vector<16xi32>,
      %get3A_68 = vector.shape_cast %get3A_67 : vector<16xi32> to vector<16xi32>
      %get3A_69 = arith.index_cast %add3A_63 : i32 to index
      %get3A_70 = tpu.vector_load %arg9[%get3A_69] {strides = array<i32>} : memref<2048xf32, #tpu.memory_space<vmem>>, vector<16xf32>,
      %get3A_71 = vector.shape_cast %get3A_70 : vector<16xf32> to vector<16xf32>
      %shift_right_logical3A = arith.constant 10 : i32
      %shift_right_logical3A_72 = vector.broadcast %shift_right_logical3A : i32 to vector<16xi32>
      %shift_right_logical3A_73 = arith.shrui %get3A_68, %shift_right_logical3A_72 : vector<16xi32>
      %eq3A_74 = vector.broadcast %arg0 : i32 to vector<16xi32>
      %eq3A_75 = arith.cmpi eq, %shift_right_logical3A_73, %eq3A_74 : vector<16xi32>
      %shift_right_logical3A_76 = arith.constant 10 : i32
      %shift_right_logical3A_77 = vector.broadcast %shift_right_logical3A_76 : i32 to vector<16xi32>
      %shift_right_logical3A_78 = arith.shrui %get3A_65, %shift_right_logical3A_77 : vector<16xi32>
      %mul3A_79 = arith.constant 5.000000e-01 : f32
      %mul3A_80 = vector.broadcast %mul3A_79 : f32 to vector<16xf32>
      %mul3A_81 = arith.mulf %get3A_71, %mul3A_80 : vector<16xf32>
      %jit3A = arith.constant 0.000000e+00 : f32
      %broadcast_in_dim3A = vector.broadcast %jit3A : f32 to vector<16xf32>
      %select_n3A = arith.select %eq3A_75, %mul3A_81, %broadcast_in_dim3A : vector<16xi1>, vector<16xf32>
      %eq3A_82 = arith.constant 0 : i32
      %eq3A_83 = vector.broadcast %eq3A_82 : i32 to vector<16xi32>
      %eq3A_84 = arith.cmpi eq, %shift_right_logical3A_78, %eq3A_83 : vector<16xi32>
      %jit3A_85 = arith.constant 0.000000e+00 : f32
      %broadcast_in_dim3A_86 = vector.broadcast %jit3A_85 : f32 to vector<16xf32>
      %select_n3A_87 = arith.select %eq3A_84, %select_n3A, %broadcast_in_dim3A_86 : vector<16xi1>, vector<16xf32>
      %and3A = arith.constant 1023 : i32
      %and3A_88 = vector.broadcast %and3A : i32 to vector<16xi32>
      %and3A_89 = arith.andi %get3A_65, %and3A_88 : vector<16xi32>
      %shift_left3A = arith.constant 10 : i32
      %shift_left3A_90 = vector.broadcast %shift_left3A : i32 to vector<16xi32>
      %shift_left3A_91 = arith.shli %and3A_89, %shift_left3A_90 : vector<16xi32>
      %and3A_92 = arith.constant 1023 : i32
      %and3A_93 = vector.broadcast %and3A_92 : i32 to vector<16xi32>
      %and3A_94 = arith.andi %get3A_68, %and3A_93 : vector<16xi32>
      %or3A = arith.ori %shift_left3A_91, %and3A_94 : vector<16xi32>
      %swap3A = arith.index_cast %scan3A_60 : i32 to index
      %swap3A_95 = arith.constant 0 : index
      %swap3A_96 = tpu.vector_load %arg10[%swap3A, %swap3A_95] {strides = array<i32>} : memref<32x128xi32, #tpu.memory_space<vmem>>, vector<1x16xi32>,
      %swap3A_97 = vector.shape_cast %swap3A_96 : vector<1x16xi32> to vector<16xi32>
      %swap3A_98 = vector.shape_cast %or3A : vector<16xi32> to vector<1x16xi32>
      tpu.vector_store %arg10[%swap3A, %swap3A_95], %swap3A_98 {strides = array<i32>} : memref<32x128xi32, #tpu.memory_space<vmem>>, vector<1x16xi32>,
      %swap3A_99 = arith.index_cast %scan3A_60 : i32 to index
      %swap3A_100 = arith.constant 0 : index
      %swap3A_101 = tpu.vector_load %arg11[%swap3A_99, %swap3A_100] {strides = array<i32>} : memref<32x128xi32, #tpu.memory_space<vmem>>, vector<1x16xi32>,
      %swap3A_102 = vector.shape_cast %swap3A_101 : vector<1x16xi32> to vector<16xi32>
      %swap3A_103 = vector.shape_cast %get3A_65 : vector<16xi32> to vector<1x16xi32>
      tpu.vector_store %arg11[%swap3A_99, %swap3A_100], %swap3A_103 {strides = array<i32>} : memref<32x128xi32, #tpu.memory_space<vmem>>, vector<1x16xi32>,
      %swap3A_104 = arith.index_cast %scan3A_60 : i32 to index
      %swap3A_105 = arith.constant 0 : index
      %swap3A_106 = tpu.vector_load %arg12[%swap3A_104, %swap3A_105] {strides = array<i32>} : memref<32x128xf32, #tpu.memory_space<vmem>>, vector<1x16xf32>,
      %swap3A_107 = vector.shape_cast %swap3A_106 : vector<1x16xf32> to vector<16xf32>
      %swap3A_108 = vector.shape_cast %select_n3A_87 : vector<16xf32> to vector<1x16xf32>
      tpu.vector_store %arg12[%swap3A_104, %swap3A_105], %swap3A_108 {strides = array<i32>} : memref<32x128xf32, #tpu.memory_space<vmem>>, vector<1x16xf32>,
      %sub3A = arith.subf %select_n3A, %select_n3A_87 : vector<16xf32>
      %swap3A_109 = arith.index_cast %scan3A_60 : i32 to index
      %swap3A_110 = arith.constant 0 : index
      %swap3A_111 = tpu.vector_load %arg13[%swap3A_109, %swap3A_110] {strides = array<i32>} : memref<32x128xf32, #tpu.memory_space<vmem>>, vector<1x16xf32>,
      %swap3A_112 = vector.shape_cast %swap3A_111 : vector<1x16xf32> to vector<16xf32>
      %swap3A_113 = vector.shape_cast %sub3A : vector<16xf32> to vector<1x16xf32>
      tpu.vector_store %arg13[%swap3A_109, %swap3A_110], %swap3A_113 {strides = array<i32>} : memref<32x128xf32, #tpu.memory_space<vmem>>, vector<1x16xf32>,
      %swap3A_114 = arith.index_cast %scan3A_60 : i32 to index
      %swap3A_115 = arith.constant 0 : index
      %swap3A_116 = tpu.vector_load %arg14[%swap3A_114, %swap3A_115] {strides = array<i32>} : memref<32x128xf32, #tpu.memory_space<vmem>>, vector<1x16xf32>,
      %swap3A_117 = vector.shape_cast %swap3A_116 : vector<1x16xf32> to vector<16xf32>
      %swap3A_118 = vector.shape_cast %select_n3A : vector<16xf32> to vector<1x16xf32>
      tpu.vector_store %arg14[%swap3A_114, %swap3A_115], %swap3A_118 {strides = array<i32>} : memref<32x128xf32, #tpu.memory_space<vmem>>, vector<1x16xf32>,
      %shift_right_logical3A_119 = arith.constant 10 : i32
      %shift_right_logical3A_120 = vector.broadcast %shift_right_logical3A_119 : i32 to vector<16xi32>
      %shift_right_logical3A_121 = arith.shrui %get3A_65, %shift_right_logical3A_120 : vector<16xi32>
      %eq3A_122 = vector.broadcast %arg0 : i32 to vector<16xi32>
      %eq3A_123 = arith.cmpi eq, %shift_right_logical3A_121, %eq3A_122 : vector<16xi32>
      %shift_right_logical3A_124 = arith.constant 10 : i32
      %shift_right_logical3A_125 = vector.broadcast %shift_right_logical3A_124 : i32 to vector<16xi32>
      %shift_right_logical3A_126 = arith.shrui %get3A_68, %shift_right_logical3A_125 : vector<16xi32>
      %mul3A_127 = arith.constant 5.000000e-01 : f32
      %mul3A_128 = vector.broadcast %mul3A_127 : f32 to vector<16xf32>
      %mul3A_129 = arith.mulf %get3A_71, %mul3A_128 : vector<16xf32>
      %jit3A_130 = arith.constant 0.000000e+00 : f32
      %broadcast_in_dim3A_131 = vector.broadcast %jit3A_130 : f32 to vector<16xf32>
      %select_n3A_132 = arith.select %eq3A_123, %mul3A_129, %broadcast_in_dim3A_131 : vector<16xi1>, vector<16xf32>
      %eq3A_133 = arith.constant 0 : i32
      %eq3A_134 = vector.broadcast %eq3A_133 : i32 to vector<16xi32>
      %eq3A_135 = arith.cmpi eq, %shift_right_logical3A_126, %eq3A_134 : vector<16xi32>
      %jit3A_136 = arith.constant 0.000000e+00 : f32
      %broadcast_in_dim3A_137 = vector.broadcast %jit3A_136 : f32 to vector<16xf32>
      %select_n3A_138 = arith.select %eq3A_135, %select_n3A_132, %broadcast_in_dim3A_137 : vector<16xi1>, vector<16xf32>
      %and3A_139 = arith.constant 1023 : i32
      %and3A_140 = vector.broadcast %and3A_139 : i32 to vector<16xi32>
      %and3A_141 = arith.andi %get3A_68, %and3A_140 : vector<16xi32>
      %shift_left3A_142 = arith.constant 10 : i32
      %shift_left3A_143 = vector.broadcast %shift_left3A_142 : i32 to vector<16xi32>
      %shift_left3A_144 = arith.shli %and3A_141, %shift_left3A_143 : vector<16xi32>
      %and3A_145 = arith.constant 1023 : i32
      %and3A_146 = vector.broadcast %and3A_145 : i32 to vector<16xi32>
      %and3A_147 = arith.andi %get3A_65, %and3A_146 : vector<16xi32>
      %or3A_148 = arith.ori %shift_left3A_144, %and3A_147 : vector<16xi32>
      %swap3A_149 = arith.index_cast %scan3A_60 : i32 to index
      %swap3A_150 = arith.constant 64 : index
      %swap3A_151 = tpu.vector_load %arg10[%swap3A_149, %swap3A_150] {strides = array<i32>} : memref<32x128xi32, #tpu.memory_space<vmem>>, vector<1x16xi32>,
      %swap3A_152 = vector.shape_cast %swap3A_151 : vector<1x16xi32> to vector<16xi32>
      %swap3A_153 = vector.shape_cast %or3A_148 : vector<16xi32> to vector<1x16xi32>
      tpu.vector_store %arg10[%swap3A_149, %swap3A_150], %swap3A_153 {strides = array<i32>} : memref<32x128xi32, #tpu.memory_space<vmem>>, vector<1x16xi32>,
      %swap3A_154 = arith.index_cast %scan3A_60 : i32 to index
      %swap3A_155 = arith.constant 64 : index
      %swap3A_156 = tpu.vector_load %arg11[%swap3A_154, %swap3A_155] {strides = array<i32>} : memref<32x128xi32, #tpu.memory_space<vmem>>, vector<1x16xi32>,
      %swap3A_157 = vector.shape_cast %swap3A_156 : vector<1x16xi32> to vector<16xi32>
      %swap3A_158 = vector.shape_cast %get3A_68 : vector<16xi32> to vector<1x16xi32>
      tpu.vector_store %arg11[%swap3A_154, %swap3A_155], %swap3A_158 {strides = array<i32>} : memref<32x128xi32, #tpu.memory_space<vmem>>, vector<1x16xi32>,
      %swap3A_159 = arith.index_cast %scan3A_60 : i32 to index
      %swap3A_160 = arith.constant 64 : index
      %swap3A_161 = tpu.vector_load %arg12[%swap3A_159, %swap3A_160] {strides = array<i32>} : memref<32x128xf32, #tpu.memory_space<vmem>>, vector<1x16xf32>,
      %swap3A_162 = vector.shape_cast %swap3A_161 : vector<1x16xf32> to vector<16xf32>
      %swap3A_163 = vector.shape_cast %select_n3A_138 : vector<16xf32> to vector<1x16xf32>
      tpu.vector_store %arg12[%swap3A_159, %swap3A_160], %swap3A_163 {strides = array<i32>} : memref<32x128xf32, #tpu.memory_space<vmem>>, vector<1x16xf32>,
      %sub3A_164 = arith.subf %select_n3A_132, %select_n3A_138 : vector<16xf32>
      %swap3A_165 = arith.index_cast %scan3A_60 : i32 to index
      %swap3A_166 = arith.constant 64 : index
      %swap3A_167 = tpu.vector_load %arg13[%swap3A_165, %swap3A_166] {strides = array<i32>} : memref<32x128xf32, #tpu.memory_space<vmem>>, vector<1x16xf32>,
      %swap3A_168 = vector.shape_cast %swap3A_167 : vector<1x16xf32> to vector<16xf32>
      %swap3A_169 = vector.shape_cast %sub3A_164 : vector<16xf32> to vector<1x16xf32>
      tpu.vector_store %arg13[%swap3A_165, %swap3A_166], %swap3A_169 {strides = array<i32>} : memref<32x128xf32, #tpu.memory_space<vmem>>, vector<1x16xf32>,
      %swap3A_170 = arith.index_cast %scan3A_60 : i32 to index
      %swap3A_171 = arith.constant 64 : index
      %swap3A_172 = tpu.vector_load %arg14[%swap3A_170, %swap3A_171] {strides = array<i32>} : memref<32x128xf32, #tpu.memory_space<vmem>>, vector<1x16xf32>,
      %swap3A_173 = vector.shape_cast %swap3A_172 : vector<1x16xf32> to vector<16xf32>
      %swap3A_174 = vector.shape_cast %select_n3A_132 : vector<16xf32> to vector<1x16xf32>
      tpu.vector_store %arg14[%swap3A_170, %swap3A_171], %swap3A_174 {strides = array<i32>} : memref<32x128xf32, #tpu.memory_space<vmem>>, vector<1x16xf32>,
      %mul3A_175 = arith.constant 64 : i32
      %mul3A_176 = arith.muli %scan3A_60, %mul3A_175 : i32
      %add3A_177 = arith.constant 16 : i32
      %add3A_178 = arith.addi %mul3A_176, %add3A_177 : i32
      %get3A_179 = arith.index_cast %add3A_178 : i32 to index
      %get3A_180 = tpu.vector_load %arg7[%get3A_179] {strides = array<i32>} : memref<2048xi32, #tpu.memory_space<vmem>>, vector<16xi32>,
      %get3A_181 = vector.shape_cast %get3A_180 : vector<16xi32> to vector<16xi32>
      %get3A_182 = arith.index_cast %add3A_178 : i32 to index
      %get3A_183 = tpu.vector_load %arg8[%get3A_182] {strides = array<i32>} : memref<2048xi32, #tpu.memory_space<vmem>>, vector<16xi32>,
      %get3A_184 = vector.shape_cast %get3A_183 : vector<16xi32> to vector<16xi32>
      %get3A_185 = arith.index_cast %add3A_178 : i32 to index
      %get3A_186 = tpu.vector_load %arg9[%get3A_185] {strides = array<i32>} : memref<2048xf32, #tpu.memory_space<vmem>>, vector<16xf32>,
      %get3A_187 = vector.shape_cast %get3A_186 : vector<16xf32> to vector<16xf32>
      %shift_right_logical3A_188 = arith.constant 10 : i32
      %shift_right_logical3A_189 = vector.broadcast %shift_right_logical3A_188 : i32 to vector<16xi32>
      %shift_right_logical3A_190 = arith.shrui %get3A_184, %shift_right_logical3A_189 : vector<16xi32>
      %eq3A_191 = vector.broadcast %arg0 : i32 to vector<16xi32>
      %eq3A_192 = arith.cmpi eq, %shift_right_logical3A_190, %eq3A_191 : vector<16xi32>
      %shift_right_logical3A_193 = arith.constant 10 : i32
      %shift_right_logical3A_194 = vector.broadcast %shift_right_logical3A_193 : i32 to vector<16xi32>
      %shift_right_logical3A_195 = arith.shrui %get3A_181, %shift_right_logical3A_194 : vector<16xi32>
      %mul3A_196 = arith.constant 5.000000e-01 : f32
      %mul3A_197 = vector.broadcast %mul3A_196 : f32 to vector<16xf32>
      %mul3A_198 = arith.mulf %get3A_187, %mul3A_197 : vector<16xf32>
      %jit3A_199 = arith.constant 0.000000e+00 : f32
      %broadcast_in_dim3A_200 = vector.broadcast %jit3A_199 : f32 to vector<16xf32>
      %select_n3A_201 = arith.select %eq3A_192, %mul3A_198, %broadcast_in_dim3A_200 : vector<16xi1>, vector<16xf32>
      %eq3A_202 = arith.constant 0 : i32
      %eq3A_203 = vector.broadcast %eq3A_202 : i32 to vector<16xi32>
      %eq3A_204 = arith.cmpi eq, %shift_right_logical3A_195, %eq3A_203 : vector<16xi32>
      %jit3A_205 = arith.constant 0.000000e+00 : f32
      %broadcast_in_dim3A_206 = vector.broadcast %jit3A_205 : f32 to vector<16xf32>
      %select_n3A_207 = arith.select %eq3A_204, %select_n3A_201, %broadcast_in_dim3A_206 : vector<16xi1>, vector<16xf32>
      %and3A_208 = arith.constant 1023 : i32
      %and3A_209 = vector.broadcast %and3A_208 : i32 to vector<16xi32>
      %and3A_210 = arith.andi %get3A_181, %and3A_209 : vector<16xi32>
      %shift_left3A_211 = arith.constant 10 : i32
      %shift_left3A_212 = vector.broadcast %shift_left3A_211 : i32 to vector<16xi32>
      %shift_left3A_213 = arith.shli %and3A_210, %shift_left3A_212 : vector<16xi32>
      %and3A_214 = arith.constant 1023 : i32
      %and3A_215 = vector.broadcast %and3A_214 : i32 to vector<16xi32>
      %and3A_216 = arith.andi %get3A_184, %and3A_215 : vector<16xi32>
      %or3A_217 = arith.ori %shift_left3A_213, %and3A_216 : vector<16xi32>
      %swap3A_218 = arith.index_cast %scan3A_60 : i32 to index
      %swap3A_219 = arith.constant 16 : index
      %swap3A_220 = tpu.vector_load %arg10[%swap3A_218, %swap3A_219] {strides = array<i32>} : memref<32x128xi32, #tpu.memory_space<vmem>>, vector<1x16xi32>,
      %swap3A_221 = vector.shape_cast %swap3A_220 : vector<1x16xi32> to vector<16xi32>
      %swap3A_222 = vector.shape_cast %or3A_217 : vector<16xi32> to vector<1x16xi32>
      tpu.vector_store %arg10[%swap3A_218, %swap3A_219], %swap3A_222 {strides = array<i32>} : memref<32x128xi32, #tpu.memory_space<vmem>>, vector<1x16xi32>,
      %swap3A_223 = arith.index_cast %scan3A_60 : i32 to index
      %swap3A_224 = arith.constant 16 : index
      %swap3A_225 = tpu.vector_load %arg11[%swap3A_223, %swap3A_224] {strides = array<i32>} : memref<32x128xi32, #tpu.memory_space<vmem>>, vector<1x16xi32>,
      %swap3A_226 = vector.shape_cast %swap3A_225 : vector<1x16xi32> to vector<16xi32>
      %swap3A_227 = vector.shape_cast %get3A_181 : vector<16xi32> to vector<1x16xi32>
      tpu.vector_store %arg11[%swap3A_223, %swap3A_224], %swap3A_227 {strides = array<i32>} : memref<32x128xi32, #tpu.memory_space<vmem>>, vector<1x16xi32>,
      %swap3A_228 = arith.index_cast %scan3A_60 : i32 to index
      %swap3A_229 = arith.constant 16 : index
      %swap3A_230 = tpu.vector_load %arg12[%swap3A_228, %swap3A_229] {strides = array<i32>} : memref<32x128xf32, #tpu.memory_space<vmem>>, vector<1x16xf32>,
      %swap3A_231 = vector.shape_cast %swap3A_230 : vector<1x16xf32> to vector<16xf32>
      %swap3A_232 = vector.shape_cast %select_n3A_207 : vector<16xf32> to vector<1x16xf32>
      tpu.vector_store %arg12[%swap3A_228, %swap3A_229], %swap3A_232 {strides = array<i32>} : memref<32x128xf32, #tpu.memory_space<vmem>>, vector<1x16xf32>,
      %sub3A_233 = arith.subf %select_n3A_201, %select_n3A_207 : vector<16xf32>
      %swap3A_234 = arith.index_cast %scan3A_60 : i32 to index
      %swap3A_235 = arith.constant 16 : index
      %swap3A_236 = tpu.vector_load %arg13[%swap3A_234, %swap3A_235] {strides = array<i32>} : memref<32x128xf32, #tpu.memory_space<vmem>>, vector<1x16xf32>,
      %swap3A_237 = vector.shape_cast %swap3A_236 : vector<1x16xf32> to vector<16xf32>
      %swap3A_238 = vector.shape_cast %sub3A_233 : vector<16xf32> to vector<1x16xf32>
      tpu.vector_store %arg13[%swap3A_234, %swap3A_235], %swap3A_238 {strides = array<i32>} : memref<32x128xf32, #tpu.memory_space<vmem>>, vector<1x16xf32>,
      %swap3A_239 = arith.index_cast %scan3A_60 : i32 to index
      %swap3A_240 = arith.constant 16 : index
      %swap3A_241 = tpu.vector_load %arg14[%swap3A_239, %swap3A_240] {strides = array<i32>} : memref<32x128xf32, #tpu.memory_space<vmem>>, vector<1x16xf32>,
      %swap3A_242 = vector.shape_cast %swap3A_241 : vector<1x16xf32> to vector<16xf32>
      %swap3A_243 = vector.shape_cast %select_n3A_201 : vector<16xf32> to vector<1x16xf32>
      tpu.vector_store %arg14[%swap3A_239, %swap3A_240], %swap3A_243 {strides = array<i32>} : memref<32x128xf32, #tpu.memory_space<vmem>>, vector<1x16xf32>,
      %shift_right_logical3A_244 = arith.constant 10 : i32
      %shift_right_logical3A_245 = vector.broadcast %shift_right_logical3A_244 : i32 to vector<16xi32>
      %shift_right_logical3A_246 = arith.shrui %get3A_181, %shift_right_logical3A_245 : vector<16xi32>
      %eq3A_247 = vector.broadcast %arg0 : i32 to vector<16xi32>
      %eq3A_248 = arith.cmpi eq, %shift_right_logical3A_246, %eq3A_247 : vector<16xi32>
      %shift_right_logical3A_249 = arith.constant 10 : i32
      %shift_right_logical3A_250 = vector.broadcast %shift_right_logical3A_249 : i32 to vector<16xi32>
      %shift_right_logical3A_251 = arith.shrui %get3A_184, %shift_right_logical3A_250 : vector<16xi32>
      %mul3A_252 = arith.constant 5.000000e-01 : f32
      %mul3A_253 = vector.broadcast %mul3A_252 : f32 to vector<16xf32>
      %mul3A_254 = arith.mulf %get3A_187, %mul3A_253 : vector<16xf32>
      %jit3A_255 = arith.constant 0.000000e+00 : f32
      %broadcast_in_dim3A_256 = vector.broadcast %jit3A_255 : f32 to vector<16xf32>
      %select_n3A_257 = arith.select %eq3A_248, %mul3A_254, %broadcast_in_dim3A_256 : vector<16xi1>, vector<16xf32>
      %eq3A_258 = arith.constant 0 : i32
      %eq3A_259 = vector.broadcast %eq3A_258 : i32 to vector<16xi32>
      %eq3A_260 = arith.cmpi eq, %shift_right_logical3A_251, %eq3A_259 : vector<16xi32>
      %jit3A_261 = arith.constant 0.000000e+00 : f32
      %broadcast_in_dim3A_262 = vector.broadcast %jit3A_261 : f32 to vector<16xf32>
      %select_n3A_263 = arith.select %eq3A_260, %select_n3A_257, %broadcast_in_dim3A_262 : vector<16xi1>, vector<16xf32>
      %and3A_264 = arith.constant 1023 : i32
      %and3A_265 = vector.broadcast %and3A_264 : i32 to vector<16xi32>
      %and3A_266 = arith.andi %get3A_184, %and3A_265 : vector<16xi32>
      %shift_left3A_267 = arith.constant 10 : i32
      %shift_left3A_268 = vector.broadcast %shift_left3A_267 : i32 to vector<16xi32>
      %shift_left3A_269 = arith.shli %and3A_266, %shift_left3A_268 : vector<16xi32>
      %and3A_270 = arith.constant 1023 : i32
      %and3A_271 = vector.broadcast %and3A_270 : i32 to vector<16xi32>
      %and3A_272 = arith.andi %get3A_181, %and3A_271 : vector<16xi32>
      %or3A_273 = arith.ori %shift_left3A_269, %and3A_272 : vector<16xi32>
      %swap3A_274 = arith.index_cast %scan3A_60 : i32 to index
      %swap3A_275 = arith.constant 80 : index
      %swap3A_276 = tpu.vector_load %arg10[%swap3A_274, %swap3A_275] {strides = array<i32>} : memref<32x128xi32, #tpu.memory_space<vmem>>, vector<1x16xi32>,
      %swap3A_277 = vector.shape_cast %swap3A_276 : vector<1x16xi32> to vector<16xi32>
      %swap3A_278 = vector.shape_cast %or3A_273 : vector<16xi32> to vector<1x16xi32>
      tpu.vector_store %arg10[%swap3A_274, %swap3A_275], %swap3A_278 {strides = array<i32>} : memref<32x128xi32, #tpu.memory_space<vmem>>, vector<1x16xi32>,
      %swap3A_279 = arith.index_cast %scan3A_60 : i32 to index
      %swap3A_280 = arith.constant 80 : index
      %swap3A_281 = tpu.vector_load %arg11[%swap3A_279, %swap3A_280] {strides = array<i32>} : memref<32x128xi32, #tpu.memory_space<vmem>>, vector<1x16xi32>,
      %swap3A_282 = vector.shape_cast %swap3A_281 : vector<1x16xi32> to vector<16xi32>
      %swap3A_283 = vector.shape_cast %get3A_184 : vector<16xi32> to vector<1x16xi32>
      tpu.vector_store %arg11[%swap3A_279, %swap3A_280], %swap3A_283 {strides = array<i32>} : memref<32x128xi32, #tpu.memory_space<vmem>>, vector<1x16xi32>,
      %swap3A_284 = arith.index_cast %scan3A_60 : i32 to index
      %swap3A_285 = arith.constant 80 : index
      %swap3A_286 = tpu.vector_load %arg12[%swap3A_284, %swap3A_285] {strides = array<i32>} : memref<32x128xf32, #tpu.memory_space<vmem>>, vector<1x16xf32>,
      %swap3A_287 = vector.shape_cast %swap3A_286 : vector<1x16xf32> to vector<16xf32>
      %swap3A_288 = vector.shape_cast %select_n3A_263 : vector<16xf32> to vector<1x16xf32>
      tpu.vector_store %arg12[%swap3A_284, %swap3A_285], %swap3A_288 {strides = array<i32>} : memref<32x128xf32, #tpu.memory_space<vmem>>, vector<1x16xf32>,
      %sub3A_289 = arith.subf %select_n3A_257, %select_n3A_263 : vector<16xf32>
      %swap3A_290 = arith.index_cast %scan3A_60 : i32 to index
      %swap3A_291 = arith.constant 80 : index
      %swap3A_292 = tpu.vector_load %arg13[%swap3A_290, %swap3A_291] {strides = array<i32>} : memref<32x128xf32, #tpu.memory_space<vmem>>, vector<1x16xf32>,
      %swap3A_293 = vector.shape_cast %swap3A_292 : vector<1x16xf32> to vector<16xf32>
      %swap3A_294 = vector.shape_cast %sub3A_289 : vector<16xf32> to vector<1x16xf32>
      tpu.vector_store %arg13[%swap3A_290, %swap3A_291], %swap3A_294 {strides = array<i32>} : memref<32x128xf32, #tpu.memory_space<vmem>>, vector<1x16xf32>,
      %swap3A_295 = arith.index_cast %scan3A_60 : i32 to index
      %swap3A_296 = arith.constant 80 : index
      %swap3A_297 = tpu.vector_load %arg14[%swap3A_295, %swap3A_296] {strides = array<i32>} : memref<32x128xf32, #tpu.memory_space<vmem>>, vector<1x16xf32>,
      %swap3A_298 = vector.shape_cast %swap3A_297 : vector<1x16xf32> to vector<16xf32>
      %swap3A_299 = vector.shape_cast %select_n3A_257 : vector<16xf32> to vector<1x16xf32>
      tpu.vector_store %arg14[%swap3A_295, %swap3A_296], %swap3A_299 {strides = array<i32>} : memref<32x128xf32, #tpu.memory_space<vmem>>, vector<1x16xf32>,
      %mul3A_300 = arith.constant 64 : i32
      %mul3A_301 = arith.muli %scan3A_60, %mul3A_300 : i32
      %add3A_302 = arith.constant 32 : i32
      %add3A_303 = arith.addi %mul3A_301, %add3A_302 : i32
      %get3A_304 = arith.index_cast %add3A_303 : i32 to index
      %get3A_305 = tpu.vector_load %arg7[%get3A_304] {strides = array<i32>} : memref<2048xi32, #tpu.memory_space<vmem>>, vector<16xi32>,
      %get3A_306 = vector.shape_cast %get3A_305 : vector<16xi32> to vector<16xi32>
      %get3A_307 = arith.index_cast %add3A_303 : i32 to index
      %get3A_308 = tpu.vector_load %arg8[%get3A_307] {strides = array<i32>} : memref<2048xi32, #tpu.memory_space<vmem>>, vector<16xi32>,
      %get3A_309 = vector.shape_cast %get3A_308 : vector<16xi32> to vector<16xi32>
      %get3A_310 = arith.index_cast %add3A_303 : i32 to index
      %get3A_311 = tpu.vector_load %arg9[%get3A_310] {strides = array<i32>} : memref<2048xf32, #tpu.memory_space<vmem>>, vector<16xf32>,
      %get3A_312 = vector.shape_cast %get3A_311 : vector<16xf32> to vector<16xf32>
      %shift_right_logical3A_313 = arith.constant 10 : i32
      %shift_right_logical3A_314 = vector.broadcast %shift_right_logical3A_313 : i32 to vector<16xi32>
      %shift_right_logical3A_315 = arith.shrui %get3A_309, %shift_right_logical3A_314 : vector<16xi32>
      %eq3A_316 = vector.broadcast %arg0 : i32 to vector<16xi32>
      %eq3A_317 = arith.cmpi eq, %shift_right_logical3A_315, %eq3A_316 : vector<16xi32>
      %shift_right_logical3A_318 = arith.constant 10 : i32
      %shift_right_logical3A_319 = vector.broadcast %shift_right_logical3A_318 : i32 to vector<16xi32>
      %shift_right_logical3A_320 = arith.shrui %get3A_306, %shift_right_logical3A_319 : vector<16xi32>
      %mul3A_321 = arith.constant 5.000000e-01 : f32
      %mul3A_322 = vector.broadcast %mul3A_321 : f32 to vector<16xf32>
      %mul3A_323 = arith.mulf %get3A_312, %mul3A_322 : vector<16xf32>
      %jit3A_324 = arith.constant 0.000000e+00 : f32
      %broadcast_in_dim3A_325 = vector.broadcast %jit3A_324 : f32 to vector<16xf32>
      %select_n3A_326 = arith.select %eq3A_317, %mul3A_323, %broadcast_in_dim3A_325 : vector<16xi1>, vector<16xf32>
      %eq3A_327 = arith.constant 0 : i32
      %eq3A_328 = vector.broadcast %eq3A_327 : i32 to vector<16xi32>
      %eq3A_329 = arith.cmpi eq, %shift_right_logical3A_320, %eq3A_328 : vector<16xi32>
      %jit3A_330 = arith.constant 0.000000e+00 : f32
      %broadcast_in_dim3A_331 = vector.broadcast %jit3A_330 : f32 to vector<16xf32>
      %select_n3A_332 = arith.select %eq3A_329, %select_n3A_326, %broadcast_in_dim3A_331 : vector<16xi1>, vector<16xf32>
      %and3A_333 = arith.constant 1023 : i32
      %and3A_334 = vector.broadcast %and3A_333 : i32 to vector<16xi32>
      %and3A_335 = arith.andi %get3A_306, %and3A_334 : vector<16xi32>
      %shift_left3A_336 = arith.constant 10 : i32
      %shift_left3A_337 = vector.broadcast %shift_left3A_336 : i32 to vector<16xi32>
      %shift_left3A_338 = arith.shli %and3A_335, %shift_left3A_337 : vector<16xi32>
      %and3A_339 = arith.constant 1023 : i32
      %and3A_340 = vector.broadcast %and3A_339 : i32 to vector<16xi32>
      %and3A_341 = arith.andi %get3A_309, %and3A_340 : vector<16xi32>
      %or3A_342 = arith.ori %shift_left3A_338, %and3A_341 : vector<16xi32>
      %swap3A_343 = arith.index_cast %scan3A_60 : i32 to index
      %swap3A_344 = arith.constant 32 : index
      %swap3A_345 = tpu.vector_load %arg10[%swap3A_343, %swap3A_344] {strides = array<i32>} : memref<32x128xi32, #tpu.memory_space<vmem>>, vector<1x16xi32>,
      %swap3A_346 = vector.shape_cast %swap3A_345 : vector<1x16xi32> to vector<16xi32>
      %swap3A_347 = vector.shape_cast %or3A_342 : vector<16xi32> to vector<1x16xi32>
      tpu.vector_store %arg10[%swap3A_343, %swap3A_344], %swap3A_347 {strides = array<i32>} : memref<32x128xi32, #tpu.memory_space<vmem>>, vector<1x16xi32>,
      %swap3A_348 = arith.index_cast %scan3A_60 : i32 to index
      %swap3A_349 = arith.constant 32 : index
      %swap3A_350 = tpu.vector_load %arg11[%swap3A_348, %swap3A_349] {strides = array<i32>} : memref<32x128xi32, #tpu.memory_space<vmem>>, vector<1x16xi32>,
      %swap3A_351 = vector.shape_cast %swap3A_350 : vector<1x16xi32> to vector<16xi32>
      %swap3A_352 = vector.shape_cast %get3A_306 : vector<16xi32> to vector<1x16xi32>
      tpu.vector_store %arg11[%swap3A_348, %swap3A_349], %swap3A_352 {strides = array<i32>} : memref<32x128xi32, #tpu.memory_space<vmem>>, vector<1x16xi32>,
      %swap3A_353 = arith.index_cast %scan3A_60 : i32 to index
      %swap3A_354 = arith.constant 32 : index
      %swap3A_355 = tpu.vector_load %arg12[%swap3A_353, %swap3A_354] {strides = array<i32>} : memref<32x128xf32, #tpu.memory_space<vmem>>, vector<1x16xf32>,
      %swap3A_356 = vector.shape_cast %swap3A_355 : vector<1x16xf32> to vector<16xf32>
      %swap3A_357 = vector.shape_cast %select_n3A_332 : vector<16xf32> to vector<1x16xf32>
      tpu.vector_store %arg12[%swap3A_353, %swap3A_354], %swap3A_357 {strides = array<i32>} : memref<32x128xf32, #tpu.memory_space<vmem>>, vector<1x16xf32>,
      %sub3A_358 = arith.subf %select_n3A_326, %select_n3A_332 : vector<16xf32>
      %swap3A_359 = arith.index_cast %scan3A_60 : i32 to index
      %swap3A_360 = arith.constant 32 : index
      %swap3A_361 = tpu.vector_load %arg13[%swap3A_359, %swap3A_360] {strides = array<i32>} : memref<32x128xf32, #tpu.memory_space<vmem>>, vector<1x16xf32>,
      %swap3A_362 = vector.shape_cast %swap3A_361 : vector<1x16xf32> to vector<16xf32>
      %swap3A_363 = vector.shape_cast %sub3A_358 : vector<16xf32> to vector<1x16xf32>
      tpu.vector_store %arg13[%swap3A_359, %swap3A_360], %swap3A_363 {strides = array<i32>} : memref<32x128xf32, #tpu.memory_space<vmem>>, vector<1x16xf32>,
      %swap3A_364 = arith.index_cast %scan3A_60 : i32 to index
      %swap3A_365 = arith.constant 32 : index
      %swap3A_366 = tpu.vector_load %arg14[%swap3A_364, %swap3A_365] {strides = array<i32>} : memref<32x128xf32, #tpu.memory_space<vmem>>, vector<1x16xf32>,
      %swap3A_367 = vector.shape_cast %swap3A_366 : vector<1x16xf32> to vector<16xf32>
      %swap3A_368 = vector.shape_cast %select_n3A_326 : vector<16xf32> to vector<1x16xf32>
      tpu.vector_store %arg14[%swap3A_364, %swap3A_365], %swap3A_368 {strides = array<i32>} : memref<32x128xf32, #tpu.memory_space<vmem>>, vector<1x16xf32>,
      %shift_right_logical3A_369 = arith.constant 10 : i32
      %shift_right_logical3A_370 = vector.broadcast %shift_right_logical3A_369 : i32 to vector<16xi32>
      %shift_right_logical3A_371 = arith.shrui %get3A_306, %shift_right_logical3A_370 : vector<16xi32>
      %eq3A_372 = vector.broadcast %arg0 : i32 to vector<16xi32>
      %eq3A_373 = arith.cmpi eq, %shift_right_logical3A_371, %eq3A_372 : vector<16xi32>
      %shift_right_logical3A_374 = arith.constant 10 : i32
      %shift_right_logical3A_375 = vector.broadcast %shift_right_logical3A_374 : i32 to vector<16xi32>
      %shift_right_logical3A_376 = arith.shrui %get3A_309, %shift_right_logical3A_375 : vector<16xi32>
      %mul3A_377 = arith.constant 5.000000e-01 : f32
      %mul3A_378 = vector.broadcast %mul3A_377 : f32 to vector<16xf32>
      %mul3A_379 = arith.mulf %get3A_312, %mul3A_378 : vector<16xf32>
      %jit3A_380 = arith.constant 0.000000e+00 : f32
      %broadcast_in_dim3A_381 = vector.broadcast %jit3A_380 : f32 to vector<16xf32>
      %select_n3A_382 = arith.select %eq3A_373, %mul3A_379, %broadcast_in_dim3A_381 : vector<16xi1>, vector<16xf32>
      %eq3A_383 = arith.constant 0 : i32
      %eq3A_384 = vector.broadcast %eq3A_383 : i32 to vector<16xi32>
      %eq3A_385 = arith.cmpi eq, %shift_right_logical3A_376, %eq3A_384 : vector<16xi32>
      %jit3A_386 = arith.constant 0.000000e+00 : f32
      %broadcast_in_dim3A_387 = vector.broadcast %jit3A_386 : f32 to vector<16xf32>
      %select_n3A_388 = arith.select %eq3A_385, %select_n3A_382, %broadcast_in_dim3A_387 : vector<16xi1>, vector<16xf32>
      %and3A_389 = arith.constant 1023 : i32
      %and3A_390 = vector.broadcast %and3A_389 : i32 to vector<16xi32>
      %and3A_391 = arith.andi %get3A_309, %and3A_390 : vector<16xi32>
      %shift_left3A_392 = arith.constant 10 : i32
      %shift_left3A_393 = vector.broadcast %shift_left3A_392 : i32 to vector<16xi32>
      %shift_left3A_394 = arith.shli %and3A_391, %shift_left3A_393 : vector<16xi32>
      %and3A_395 = arith.constant 1023 : i32
      %and3A_396 = vector.broadcast %and3A_395 : i32 to vector<16xi32>
      %and3A_397 = arith.andi %get3A_306, %and3A_396 : vector<16xi32>
      %or3A_398 = arith.ori %shift_left3A_394, %and3A_397 : vector<16xi32>
      %swap3A_399 = arith.index_cast %scan3A_60 : i32 to index
      %swap3A_400 = arith.constant 96 : index
      %swap3A_401 = tpu.vector_load %arg10[%swap3A_399, %swap3A_400] {strides = array<i32>} : memref<32x128xi32, #tpu.memory_space<vmem>>, vector<1x16xi32>,
      %swap3A_402 = vector.shape_cast %swap3A_401 : vector<1x16xi32> to vector<16xi32>
      %swap3A_403 = vector.shape_cast %or3A_398 : vector<16xi32> to vector<1x16xi32>
      tpu.vector_store %arg10[%swap3A_399, %swap3A_400], %swap3A_403 {strides = array<i32>} : memref<32x128xi32, #tpu.memory_space<vmem>>, vector<1x16xi32>,
      %swap3A_404 = arith.index_cast %scan3A_60 : i32 to index
      %swap3A_405 = arith.constant 96 : index
      %swap3A_406 = tpu.vector_load %arg11[%swap3A_404, %swap3A_405] {strides = array<i32>} : memref<32x128xi32, #tpu.memory_space<vmem>>, vector<1x16xi32>,
      %swap3A_407 = vector.shape_cast %swap3A_406 : vector<1x16xi32> to vector<16xi32>
      %swap3A_408 = vector.shape_cast %get3A_309 : vector<16xi32> to vector<1x16xi32>
      tpu.vector_store %arg11[%swap3A_404, %swap3A_405], %swap3A_408 {strides = array<i32>} : memref<32x128xi32, #tpu.memory_space<vmem>>, vector<1x16xi32>,
      %swap3A_409 = arith.index_cast %scan3A_60 : i32 to index
      %swap3A_410 = arith.constant 96 : index
      %swap3A_411 = tpu.vector_load %arg12[%swap3A_409, %swap3A_410] {strides = array<i32>} : memref<32x128xf32, #tpu.memory_space<vmem>>, vector<1x16xf32>,
      %swap3A_412 = vector.shape_cast %swap3A_411 : vector<1x16xf32> to vector<16xf32>
      %swap3A_413 = vector.shape_cast %select_n3A_388 : vector<16xf32> to vector<1x16xf32>
      tpu.vector_store %arg12[%swap3A_409, %swap3A_410], %swap3A_413 {strides = array<i32>} : memref<32x128xf32, #tpu.memory_space<vmem>>, vector<1x16xf32>,
      %sub3A_414 = arith.subf %select_n3A_382, %select_n3A_388 : vector<16xf32>
      %swap3A_415 = arith.index_cast %scan3A_60 : i32 to index
      %swap3A_416 = arith.constant 96 : index
      %swap3A_417 = tpu.vector_load %arg13[%swap3A_415, %swap3A_416] {strides = array<i32>} : memref<32x128xf32, #tpu.memory_space<vmem>>, vector<1x16xf32>,
      %swap3A_418 = vector.shape_cast %swap3A_417 : vector<1x16xf32> to vector<16xf32>
      %swap3A_419 = vector.shape_cast %sub3A_414 : vector<16xf32> to vector<1x16xf32>
      tpu.vector_store %arg13[%swap3A_415, %swap3A_416], %swap3A_419 {strides = array<i32>} : memref<32x128xf32, #tpu.memory_space<vmem>>, vector<1x16xf32>,
      %swap3A_420 = arith.index_cast %scan3A_60 : i32 to index
      %swap3A_421 = arith.constant 96 : index
      %swap3A_422 = tpu.vector_load %arg14[%swap3A_420, %swap3A_421] {strides = array<i32>} : memref<32x128xf32, #tpu.memory_space<vmem>>, vector<1x16xf32>,
      %swap3A_423 = vector.shape_cast %swap3A_422 : vector<1x16xf32> to vector<16xf32>
      %swap3A_424 = vector.shape_cast %select_n3A_382 : vector<16xf32> to vector<1x16xf32>
      tpu.vector_store %arg14[%swap3A_420, %swap3A_421], %swap3A_424 {strides = array<i32>} : memref<32x128xf32, #tpu.memory_space<vmem>>, vector<1x16xf32>,
      %mul3A_425 = arith.constant 64 : i32
      %mul3A_426 = arith.muli %scan3A_60, %mul3A_425 : i32
      %add3A_427 = arith.constant 48 : i32
      %add3A_428 = arith.addi %mul3A_426, %add3A_427 : i32
      %get3A_429 = arith.index_cast %add3A_428 : i32 to index
      %get3A_430 = tpu.vector_load %arg7[%get3A_429] {strides = array<i32>} : memref<2048xi32, #tpu.memory_space<vmem>>, vector<16xi32>,
      %get3A_431 = vector.shape_cast %get3A_430 : vector<16xi32> to vector<16xi32>
      %get3A_432 = arith.index_cast %add3A_428 : i32 to index
      %get3A_433 = tpu.vector_load %arg8[%get3A_432] {strides = array<i32>} : memref<2048xi32, #tpu.memory_space<vmem>>, vector<16xi32>,
      %get3A_434 = vector.shape_cast %get3A_433 : vector<16xi32> to vector<16xi32>
      %get3A_435 = arith.index_cast %add3A_428 : i32 to index
      %get3A_436 = tpu.vector_load %arg9[%get3A_435] {strides = array<i32>} : memref<2048xf32, #tpu.memory_space<vmem>>, vector<16xf32>,
      %get3A_437 = vector.shape_cast %get3A_436 : vector<16xf32> to vector<16xf32>
      %shift_right_logical3A_438 = arith.constant 10 : i32
      %shift_right_logical3A_439 = vector.broadcast %shift_right_logical3A_438 : i32 to vector<16xi32>
      %shift_right_logical3A_440 = arith.shrui %get3A_434, %shift_right_logical3A_439 : vector<16xi32>
      %eq3A_441 = vector.broadcast %arg0 : i32 to vector<16xi32>
      %eq3A_442 = arith.cmpi eq, %shift_right_logical3A_440, %eq3A_441 : vector<16xi32>
      %shift_right_logical3A_443 = arith.constant 10 : i32
      %shift_right_logical3A_444 = vector.broadcast %shift_right_logical3A_443 : i32 to vector<16xi32>
      %shift_right_logical3A_445 = arith.shrui %get3A_431, %shift_right_logical3A_444 : vector<16xi32>
      %mul3A_446 = arith.constant 5.000000e-01 : f32
      %mul3A_447 = vector.broadcast %mul3A_446 : f32 to vector<16xf32>
      %mul3A_448 = arith.mulf %get3A_437, %mul3A_447 : vector<16xf32>
      %jit3A_449 = arith.constant 0.000000e+00 : f32
      %broadcast_in_dim3A_450 = vector.broadcast %jit3A_449 : f32 to vector<16xf32>
      %select_n3A_451 = arith.select %eq3A_442, %mul3A_448, %broadcast_in_dim3A_450 : vector<16xi1>, vector<16xf32>
      %eq3A_452 = arith.constant 0 : i32
      %eq3A_453 = vector.broadcast %eq3A_452 : i32 to vector<16xi32>
      %eq3A_454 = arith.cmpi eq, %shift_right_logical3A_445, %eq3A_453 : vector<16xi32>
      %jit3A_455 = arith.constant 0.000000e+00 : f32
      %broadcast_in_dim3A_456 = vector.broadcast %jit3A_455 : f32 to vector<16xf32>
      %select_n3A_457 = arith.select %eq3A_454, %select_n3A_451, %broadcast_in_dim3A_456 : vector<16xi1>, vector<16xf32>
      %and3A_458 = arith.constant 1023 : i32
      %and3A_459 = vector.broadcast %and3A_458 : i32 to vector<16xi32>
      %and3A_460 = arith.andi %get3A_431, %and3A_459 : vector<16xi32>
      %shift_left3A_461 = arith.constant 10 : i32
      %shift_left3A_462 = vector.broadcast %shift_left3A_461 : i32 to vector<16xi32>
      %shift_left3A_463 = arith.shli %and3A_460, %shift_left3A_462 : vector<16xi32>
      %and3A_464 = arith.constant 1023 : i32
      %and3A_465 = vector.broadcast %and3A_464 : i32 to vector<16xi32>
      %and3A_466 = arith.andi %get3A_434, %and3A_465 : vector<16xi32>
      %or3A_467 = arith.ori %shift_left3A_463, %and3A_466 : vector<16xi32>
      %swap3A_468 = arith.index_cast %scan3A_60 : i32 to index
      %swap3A_469 = arith.constant 48 : index
      %swap3A_470 = tpu.vector_load %arg10[%swap3A_468, %swap3A_469] {strides = array<i32>} : memref<32x128xi32, #tpu.memory_space<vmem>>, vector<1x16xi32>,
      %swap3A_471 = vector.shape_cast %swap3A_470 : vector<1x16xi32> to vector<16xi32>
      %swap3A_472 = vector.shape_cast %or3A_467 : vector<16xi32> to vector<1x16xi32>
      tpu.vector_store %arg10[%swap3A_468, %swap3A_469], %swap3A_472 {strides = array<i32>} : memref<32x128xi32, #tpu.memory_space<vmem>>, vector<1x16xi32>,
      %swap3A_473 = arith.index_cast %scan3A_60 : i32 to index
      %swap3A_474 = arith.constant 48 : index
      %swap3A_475 = tpu.vector_load %arg11[%swap3A_473, %swap3A_474] {strides = array<i32>} : memref<32x128xi32, #tpu.memory_space<vmem>>, vector<1x16xi32>,
      %swap3A_476 = vector.shape_cast %swap3A_475 : vector<1x16xi32> to vector<16xi32>
      %swap3A_477 = vector.shape_cast %get3A_431 : vector<16xi32> to vector<1x16xi32>
      tpu.vector_store %arg11[%swap3A_473, %swap3A_474], %swap3A_477 {strides = array<i32>} : memref<32x128xi32, #tpu.memory_space<vmem>>, vector<1x16xi32>,
      %swap3A_478 = arith.index_cast %scan3A_60 : i32 to index
      %swap3A_479 = arith.constant 48 : index
      %swap3A_480 = tpu.vector_load %arg12[%swap3A_478, %swap3A_479] {strides = array<i32>} : memref<32x128xf32, #tpu.memory_space<vmem>>, vector<1x16xf32>,
      %swap3A_481 = vector.shape_cast %swap3A_480 : vector<1x16xf32> to vector<16xf32>
      %swap3A_482 = vector.shape_cast %select_n3A_457 : vector<16xf32> to vector<1x16xf32>
      tpu.vector_store %arg12[%swap3A_478, %swap3A_479], %swap3A_482 {strides = array<i32>} : memref<32x128xf32, #tpu.memory_space<vmem>>, vector<1x16xf32>,
      %sub3A_483 = arith.subf %select_n3A_451, %select_n3A_457 : vector<16xf32>
      %swap3A_484 = arith.index_cast %scan3A_60 : i32 to index
      %swap3A_485 = arith.constant 48 : index
      %swap3A_486 = tpu.vector_load %arg13[%swap3A_484, %swap3A_485] {strides = array<i32>} : memref<32x128xf32, #tpu.memory_space<vmem>>, vector<1x16xf32>,
      %swap3A_487 = vector.shape_cast %swap3A_486 : vector<1x16xf32> to vector<16xf32>
      %swap3A_488 = vector.shape_cast %sub3A_483 : vector<16xf32> to vector<1x16xf32>
      tpu.vector_store %arg13[%swap3A_484, %swap3A_485], %swap3A_488 {strides = array<i32>} : memref<32x128xf32, #tpu.memory_space<vmem>>, vector<1x16xf32>,
      %swap3A_489 = arith.index_cast %scan3A_60 : i32 to index
      %swap3A_490 = arith.constant 48 : index
      %swap3A_491 = tpu.vector_load %arg14[%swap3A_489, %swap3A_490] {strides = array<i32>} : memref<32x128xf32, #tpu.memory_space<vmem>>, vector<1x16xf32>,
      %swap3A_492 = vector.shape_cast %swap3A_491 : vector<1x16xf32> to vector<16xf32>
      %swap3A_493 = vector.shape_cast %select_n3A_451 : vector<16xf32> to vector<1x16xf32>
      tpu.vector_store %arg14[%swap3A_489, %swap3A_490], %swap3A_493 {strides = array<i32>} : memref<32x128xf32, #tpu.memory_space<vmem>>, vector<1x16xf32>,
      %shift_right_logical3A_494 = arith.constant 10 : i32
      %shift_right_logical3A_495 = vector.broadcast %shift_right_logical3A_494 : i32 to vector<16xi32>
      %shift_right_logical3A_496 = arith.shrui %get3A_431, %shift_right_logical3A_495 : vector<16xi32>
      %eq3A_497 = vector.broadcast %arg0 : i32 to vector<16xi32>
      %eq3A_498 = arith.cmpi eq, %shift_right_logical3A_496, %eq3A_497 : vector<16xi32>
      %shift_right_logical3A_499 = arith.constant 10 : i32
      %shift_right_logical3A_500 = vector.broadcast %shift_right_logical3A_499 : i32 to vector<16xi32>
      %shift_right_logical3A_501 = arith.shrui %get3A_434, %shift_right_logical3A_500 : vector<16xi32>
      %mul3A_502 = arith.constant 5.000000e-01 : f32
      %mul3A_503 = vector.broadcast %mul3A_502 : f32 to vector<16xf32>
      %mul3A_504 = arith.mulf %get3A_437, %mul3A_503 : vector<16xf32>
      %jit3A_505 = arith.constant 0.000000e+00 : f32
      %broadcast_in_dim3A_506 = vector.broadcast %jit3A_505 : f32 to vector<16xf32>
      %select_n3A_507 = arith.select %eq3A_498, %mul3A_504, %broadcast_in_dim3A_506 : vector<16xi1>, vector<16xf32>
      %eq3A_508 = arith.constant 0 : i32
      %eq3A_509 = vector.broadcast %eq3A_508 : i32 to vector<16xi32>
      %eq3A_510 = arith.cmpi eq, %shift_right_logical3A_501, %eq3A_509 : vector<16xi32>
      %jit3A_511 = arith.constant 0.000000e+00 : f32
      %broadcast_in_dim3A_512 = vector.broadcast %jit3A_511 : f32 to vector<16xf32>
      %select_n3A_513 = arith.select %eq3A_510, %select_n3A_507, %broadcast_in_dim3A_512 : vector<16xi1>, vector<16xf32>
      %and3A_514 = arith.constant 1023 : i32
      %and3A_515 = vector.broadcast %and3A_514 : i32 to vector<16xi32>
      %and3A_516 = arith.andi %get3A_434, %and3A_515 : vector<16xi32>
      %shift_left3A_517 = arith.constant 10 : i32
      %shift_left3A_518 = vector.broadcast %shift_left3A_517 : i32 to vector<16xi32>
      %shift_left3A_519 = arith.shli %and3A_516, %shift_left3A_518 : vector<16xi32>
      %and3A_520 = arith.constant 1023 : i32
      %and3A_521 = vector.broadcast %and3A_520 : i32 to vector<16xi32>
      %and3A_522 = arith.andi %get3A_431, %and3A_521 : vector<16xi32>
      %or3A_523 = arith.ori %shift_left3A_519, %and3A_522 : vector<16xi32>
      %swap3A_524 = arith.index_cast %scan3A_60 : i32 to index
      %swap3A_525 = arith.constant 112 : index
      %swap3A_526 = tpu.vector_load %arg10[%swap3A_524, %swap3A_525] {strides = array<i32>} : memref<32x128xi32, #tpu.memory_space<vmem>>, vector<1x16xi32>,
      %swap3A_527 = vector.shape_cast %swap3A_526 : vector<1x16xi32> to vector<16xi32>
      %swap3A_528 = vector.shape_cast %or3A_523 : vector<16xi32> to vector<1x16xi32>
      tpu.vector_store %arg10[%swap3A_524, %swap3A_525], %swap3A_528 {strides = array<i32>} : memref<32x128xi32, #tpu.memory_space<vmem>>, vector<1x16xi32>,
      %swap3A_529 = arith.index_cast %scan3A_60 : i32 to index
      %swap3A_530 = arith.constant 112 : index
      %swap3A_531 = tpu.vector_load %arg11[%swap3A_529, %swap3A_530] {strides = array<i32>} : memref<32x128xi32, #tpu.memory_space<vmem>>, vector<1x16xi32>,
      %swap3A_532 = vector.shape_cast %swap3A_531 : vector<1x16xi32> to vector<16xi32>
      %swap3A_533 = vector.shape_cast %get3A_434 : vector<16xi32> to vector<1x16xi32>
      tpu.vector_store %arg11[%swap3A_529, %swap3A_530], %swap3A_533 {strides = array<i32>} : memref<32x128xi32, #tpu.memory_space<vmem>>, vector<1x16xi32>,
      %swap3A_534 = arith.index_cast %scan3A_60 : i32 to index
      %swap3A_535 = arith.constant 112 : index
      %swap3A_536 = tpu.vector_load %arg12[%swap3A_534, %swap3A_535] {strides = array<i32>} : memref<32x128xf32, #tpu.memory_space<vmem>>, vector<1x16xf32>,
      %swap3A_537 = vector.shape_cast %swap3A_536 : vector<1x16xf32> to vector<16xf32>
      %swap3A_538 = vector.shape_cast %select_n3A_513 : vector<16xf32> to vector<1x16xf32>
      tpu.vector_store %arg12[%swap3A_534, %swap3A_535], %swap3A_538 {strides = array<i32>} : memref<32x128xf32, #tpu.memory_space<vmem>>, vector<1x16xf32>,
      %sub3A_539 = arith.subf %select_n3A_507, %select_n3A_513 : vector<16xf32>
      %swap3A_540 = arith.index_cast %scan3A_60 : i32 to index
      %swap3A_541 = arith.constant 112 : index
      %swap3A_542 = tpu.vector_load %arg13[%swap3A_540, %swap3A_541] {strides = array<i32>} : memref<32x128xf32, #tpu.memory_space<vmem>>, vector<1x16xf32>,
      %swap3A_543 = vector.shape_cast %swap3A_542 : vector<1x16xf32> to vector<16xf32>
      %swap3A_544 = vector.shape_cast %sub3A_539 : vector<16xf32> to vector<1x16xf32>
      tpu.vector_store %arg13[%swap3A_540, %swap3A_541], %swap3A_544 {strides = array<i32>} : memref<32x128xf32, #tpu.memory_space<vmem>>, vector<1x16xf32>,
      %swap3A_545 = arith.index_cast %scan3A_60 : i32 to index
      %swap3A_546 = arith.constant 112 : index
      %swap3A_547 = tpu.vector_load %arg14[%swap3A_545, %swap3A_546] {strides = array<i32>} : memref<32x128xf32, #tpu.memory_space<vmem>>, vector<1x16xf32>,
      %swap3A_548 = vector.shape_cast %swap3A_547 : vector<1x16xf32> to vector<16xf32>
      %swap3A_549 = vector.shape_cast %select_n3A_507 : vector<16xf32> to vector<1x16xf32>
      tpu.vector_store %arg14[%swap3A_545, %swap3A_546], %swap3A_549 {strides = array<i32>} : memref<32x128xf32, #tpu.memory_space<vmem>>, vector<1x16xf32>,
      %dma_start3A_550 = arith.constant 0 : i32
      %dma_start3A_551 = tpu.memref_slice %arg14[%scan3A_60, %dma_start3A_550] : memref<32x128xf32, #tpu.memory_space<vmem>> -> memref<1x128xf32, #tpu.memory_space<vmem>>
      %dma_start3A_552 = tpu.memref_squeeze %dma_start3A_551 : memref<1x128xf32, #tpu.memory_space<vmem>> -> memref<128xf32, #tpu.memory_space<vmem>>
      %dma_start3A_553 = arith.constant 0 : i32
      %dma_start3A_554 = tpu.memref_slice %arg11[%scan3A_60, %dma_start3A_553] : memref<32x128xi32, #tpu.memory_space<vmem>> -> memref<1x128xi32, #tpu.memory_space<vmem>>
      %dma_start3A_555 = tpu.memref_squeeze %dma_start3A_554 : memref<1x128xi32, #tpu.memory_space<vmem>> -> memref<128xi32, #tpu.memory_space<vmem>>
      %dma_start3A_556 = arith.constant 0 : i32
      %dma_start3A_557 = tpu.memref_slice %arg16[%dma_start3A_556] : memref<2048xf32, #tpu.memory_space<vmem_shared>> -> memref<2048xf32, #tpu.memory_space<vmem_shared>>
      tpu.enqueue_indirect_dma source(%dma_start3A_552 : memref<128xf32, #tpu.memory_space<vmem>>) target(%dma_start3A_557 : memref<2048xf32, #tpu.memory_space<vmem_shared>>) offsets(%dma_start3A_555 : memref<128xi32, #tpu.memory_space<vmem>>) semaphore(%arg18 : memref<!tpu.dma_semaphore, #tpu.memory_space<semaphore_mem>>) {add = true}
    }
    %scan3A_12 = arith.constant 32 : i32
    %dma_wait3A = tpu.memref_slice %arg15[%mul3A_7] : memref<1048576xf32, #tpu.memory_space<vmem_shared>> -> memref<65536xf32, #tpu.memory_space<vmem_shared>>
    tpu.wait_dma2 semaphore(%arg19 : memref<!tpu.dma_semaphore, #tpu.memory_space<semaphore_mem>>) src(%arg4 : memref<65536xf32, #tpu.memory_space<hbm>>) dst(%dma_wait3A : memref<65536xf32, #tpu.memory_space<vmem_shared>>)
    %barrier3A_13 = arith.constant 0 : index
    tpu.barrier barrier_id(%barrier3A_13)
    %scan3A_14 = arith.constant 0 : i32
    %scan3A_15 = arith.constant 0 : i32
    %scan3A_16 = arith.constant 32 : i32
    %scan3A_17 = arith.addi %scan3A_15, %scan3A_16 : i32
    %scan3A_18 = arith.constant 1 : i32
    scf.for %scan3A_60 = %scan3A_15 to %scan3A_17 step %scan3A_18  : i32 {
      %dma_start3A_61 = arith.constant 0 : i32
      %dma_start3A_62 = tpu.memref_slice %arg12[%scan3A_60, %dma_start3A_61] : memref<32x128xf32, #tpu.memory_space<vmem>> -> memref<1x128xf32, #tpu.memory_space<vmem>>
      %dma_start3A_63 = tpu.memref_squeeze %dma_start3A_62 : memref<1x128xf32, #tpu.memory_space<vmem>> -> memref<128xf32, #tpu.memory_space<vmem>>
      %dma_start3A_64 = arith.constant 0 : i32
      %dma_start3A_65 = tpu.memref_slice %arg10[%scan3A_60, %dma_start3A_64] : memref<32x128xi32, #tpu.memory_space<vmem>> -> memref<1x128xi32, #tpu.memory_space<vmem>>
      %dma_start3A_66 = tpu.memref_squeeze %dma_start3A_65 : memref<1x128xi32, #tpu.memory_space<vmem>> -> memref<128xi32, #tpu.memory_space<vmem>>
      %dma_start3A_67 = arith.constant 0 : i32
      %dma_start3A_68 = tpu.memref_slice %arg15[%dma_start3A_67] : memref<1048576xf32, #tpu.memory_space<vmem_shared>> -> memref<1048576xf32, #tpu.memory_space<vmem_shared>>
      tpu.enqueue_indirect_dma source(%dma_start3A_63 : memref<128xf32, #tpu.memory_space<vmem>>) target(%dma_start3A_68 : memref<1048576xf32, #tpu.memory_space<vmem_shared>>) offsets(%dma_start3A_66 : memref<128xi32, #tpu.memory_space<vmem>>) semaphore(%arg17 : memref<!tpu.dma_semaphore, #tpu.memory_space<semaphore_mem>>) {add = true}
    }
    %scan3A_19 = arith.constant 32 : i32
    %scan3A_20 = arith.constant 0 : i32
    %scan3A_21 = arith.constant 0 : i32
    %scan3A_22 = arith.constant 32 : i32
    %scan3A_23 = arith.addi %scan3A_21, %scan3A_22 : i32
    %scan3A_24 = arith.constant 1 : i32
    scf.for %scan3A_60 = %scan3A_21 to %scan3A_23 step %scan3A_24  : i32 {
      %dma_wait3A_61 = arith.constant 0 : i32
      %dma_wait3A_62 = tpu.memref_slice %arg12[%scan3A_60, %dma_wait3A_61] : memref<32x128xf32, #tpu.memory_space<vmem>> -> memref<1x128xf32, #tpu.memory_space<vmem>>
      %dma_wait3A_63 = tpu.memref_squeeze %dma_wait3A_62 : memref<1x128xf32, #tpu.memory_space<vmem>> -> memref<128xf32, #tpu.memory_space<vmem>>
      %dma_wait3A_64 = arith.constant 0 : i32
      %dma_wait3A_65 = tpu.memref_slice %arg10[%scan3A_60, %dma_wait3A_64] : memref<32x128xi32, #tpu.memory_space<vmem>> -> memref<1x128xi32, #tpu.memory_space<vmem>>
      %dma_wait3A_66 = tpu.memref_squeeze %dma_wait3A_65 : memref<1x128xi32, #tpu.memory_space<vmem>> -> memref<128xi32, #tpu.memory_space<vmem>>
      %dma_wait3A_67 = arith.constant 0 : i32
      %dma_wait3A_68 = tpu.memref_slice %arg15[%dma_wait3A_67] : memref<1048576xf32, #tpu.memory_space<vmem_shared>> -> memref<1048576xf32, #tpu.memory_space<vmem_shared>>
      tpu.wait_indirect_dma semaphore(%arg17 : memref<!tpu.dma_semaphore, #tpu.memory_space<semaphore_mem>>) src(%dma_wait3A_63 : memref<128xf32, #tpu.memory_space<vmem>>) dst(%dma_wait3A_68 : memref<1048576xf32, #tpu.memory_space<vmem_shared>>)
    }
    %scan3A_25 = arith.constant 32 : i32
    %barrier3A_26 = arith.constant 0 : index
    tpu.barrier barrier_id(%barrier3A_26)
    %mul3A_27 = arith.constant 65536 : i32
    %mul3A_28 = arith.muli %arg1, %mul3A_27 : i32
    %run_scoped3A_29 = arith.constant 0 : i32
    "tpu.region"() ({
      %run_scoped3A_60 = tpu.sem_alloc : memref<!tpu.dma_semaphore, #tpu.memory_space<semaphore_mem>>
      %dma_start3A_61 = arith.constant 0 : i32
      %dma_start3A_62 = tpu.memref_slice %arg5[%run_scoped3A_29, %arg0, %arg1, %dma_start3A_61] : memref<2x2x16x65536xf32, #tpu.memory_space<hbm>> -> memref<1x1x1x65536xf32, #tpu.memory_space<hbm>>
      %dma_start3A_63 = tpu.memref_squeeze %dma_start3A_62 : memref<1x1x1x65536xf32, #tpu.memory_space<hbm>> -> memref<65536xf32, #tpu.memory_space<hbm>>
      %dma_start3A_64 = tpu.memref_slice %arg15[%mul3A_28] : memref<1048576xf32, #tpu.memory_space<vmem_shared>> -> memref<65536xf32, #tpu.memory_space<vmem_shared>>
      tpu.enqueue_dma source(%dma_start3A_64 : memref<65536xf32, #tpu.memory_space<vmem_shared>>) target(%dma_start3A_63 : memref<65536xf32, #tpu.memory_space<hbm>>) target_semaphore(%run_scoped3A_60 : memref<!tpu.dma_semaphore, #tpu.memory_space<semaphore_mem>>)
      %dma_wait3A_65 = arith.constant 0 : i32
      %dma_wait3A_66 = tpu.memref_slice %arg5[%run_scoped3A_29, %arg0, %arg1, %dma_wait3A_65] : memref<2x2x16x65536xf32, #tpu.memory_space<hbm>> -> memref<1x1x1x65536xf32, #tpu.memory_space<hbm>>
      %dma_wait3A_67 = tpu.memref_squeeze %dma_wait3A_66 : memref<1x1x1x65536xf32, #tpu.memory_space<hbm>> -> memref<65536xf32, #tpu.memory_space<hbm>>
      %dma_wait3A_68 = tpu.memref_slice %arg15[%mul3A_28] : memref<1048576xf32, #tpu.memory_space<vmem_shared>> -> memref<65536xf32, #tpu.memory_space<vmem_shared>>
      tpu.wait_dma2 semaphore(%run_scoped3A_60 : memref<!tpu.dma_semaphore, #tpu.memory_space<semaphore_mem>>) src(%dma_wait3A_68 : memref<65536xf32, #tpu.memory_space<vmem_shared>>) dst(%dma_wait3A_67 : memref<65536xf32, #tpu.memory_space<hbm>>)
      tpu.yield
    }) : () -> ()
    %barrier3A_30 = arith.constant 0 : index
    tpu.barrier barrier_id(%barrier3A_30)
    %mul3A_31 = arith.constant 65536 : i32
    %mul3A_32 = arith.muli %arg1, %mul3A_31 : i32
    "tpu.region"() ({
      %run_scoped3A_60 = tpu.sem_alloc : memref<!tpu.dma_semaphore, #tpu.memory_space<semaphore_mem>>
      %dma_start3A_61 = tpu.memref_slice %arg15[%mul3A_32] : memref<1048576xf32, #tpu.memory_space<vmem_shared>> -> memref<65536xf32, #tpu.memory_space<vmem_shared>>
      tpu.enqueue_dma source(%arg4 : memref<65536xf32, #tpu.memory_space<hbm>>) target(%dma_start3A_61 : memref<65536xf32, #tpu.memory_space<vmem_shared>>) target_semaphore(%run_scoped3A_60 : memref<!tpu.dma_semaphore, #tpu.memory_space<semaphore_mem>>)
      %dma_wait3A_62 = tpu.memref_slice %arg15[%mul3A_32] : memref<1048576xf32, #tpu.memory_space<vmem_shared>> -> memref<65536xf32, #tpu.memory_space<vmem_shared>>
      tpu.wait_dma2 semaphore(%run_scoped3A_60 : memref<!tpu.dma_semaphore, #tpu.memory_space<semaphore_mem>>) src(%arg4 : memref<65536xf32, #tpu.memory_space<hbm>>) dst(%dma_wait3A_62 : memref<65536xf32, #tpu.memory_space<vmem_shared>>)
      tpu.yield
    }) : () -> ()
    %barrier3A_33 = arith.constant 0 : index
    tpu.barrier barrier_id(%barrier3A_33)
    %scan3A_34 = arith.constant 0 : i32
    %scan3A_35 = arith.constant 0 : i32
    %scan3A_36 = arith.constant 32 : i32
    %scan3A_37 = arith.addi %scan3A_35, %scan3A_36 : i32
    %scan3A_38 = arith.constant 1 : i32
    scf.for %scan3A_60 = %scan3A_35 to %scan3A_37 step %scan3A_38  : i32 {
      %dma_start3A_61 = arith.constant 0 : i32
      %dma_start3A_62 = tpu.memref_slice %arg13[%scan3A_60, %dma_start3A_61] : memref<32x128xf32, #tpu.memory_space<vmem>> -> memref<1x128xf32, #tpu.memory_space<vmem>>
      %dma_start3A_63 = tpu.memref_squeeze %dma_start3A_62 : memref<1x128xf32, #tpu.memory_space<vmem>> -> memref<128xf32, #tpu.memory_space<vmem>>
      %dma_start3A_64 = arith.constant 0 : i32
      %dma_start3A_65 = tpu.memref_slice %arg10[%scan3A_60, %dma_start3A_64] : memref<32x128xi32, #tpu.memory_space<vmem>> -> memref<1x128xi32, #tpu.memory_space<vmem>>
      %dma_start3A_66 = tpu.memref_squeeze %dma_start3A_65 : memref<1x128xi32, #tpu.memory_space<vmem>> -> memref<128xi32, #tpu.memory_space<vmem>>
      %dma_start3A_67 = arith.constant 0 : i32
      %dma_start3A_68 = tpu.memref_slice %arg15[%dma_start3A_67] : memref<1048576xf32, #tpu.memory_space<vmem_shared>> -> memref<1048576xf32, #tpu.memory_space<vmem_shared>>
      tpu.enqueue_indirect_dma source(%dma_start3A_63 : memref<128xf32, #tpu.memory_space<vmem>>) target(%dma_start3A_68 : memref<1048576xf32, #tpu.memory_space<vmem_shared>>) offsets(%dma_start3A_66 : memref<128xi32, #tpu.memory_space<vmem>>) semaphore(%arg17 : memref<!tpu.dma_semaphore, #tpu.memory_space<semaphore_mem>>) {add = true}
    }
    %scan3A_39 = arith.constant 32 : i32
    %scan3A_40 = arith.constant 0 : i32
    %scan3A_41 = arith.constant 0 : i32
    %scan3A_42 = arith.constant 32 : i32
    %scan3A_43 = arith.addi %scan3A_41, %scan3A_42 : i32
    %scan3A_44 = arith.constant 1 : i32
    scf.for %scan3A_60 = %scan3A_41 to %scan3A_43 step %scan3A_44  : i32 {
      %dma_wait3A_61 = arith.constant 0 : i32
      %dma_wait3A_62 = tpu.memref_slice %arg13[%scan3A_60, %dma_wait3A_61] : memref<32x128xf32, #tpu.memory_space<vmem>> -> memref<1x128xf32, #tpu.memory_space<vmem>>
      %dma_wait3A_63 = tpu.memref_squeeze %dma_wait3A_62 : memref<1x128xf32, #tpu.memory_space<vmem>> -> memref<128xf32, #tpu.memory_space<vmem>>
      %dma_wait3A_64 = arith.constant 0 : i32
      %dma_wait3A_65 = tpu.memref_slice %arg10[%scan3A_60, %dma_wait3A_64] : memref<32x128xi32, #tpu.memory_space<vmem>> -> memref<1x128xi32, #tpu.memory_space<vmem>>
      %dma_wait3A_66 = tpu.memref_squeeze %dma_wait3A_65 : memref<1x128xi32, #tpu.memory_space<vmem>> -> memref<128xi32, #tpu.memory_space<vmem>>
      %dma_wait3A_67 = arith.constant 0 : i32
      %dma_wait3A_68 = tpu.memref_slice %arg15[%dma_wait3A_67] : memref<1048576xf32, #tpu.memory_space<vmem_shared>> -> memref<1048576xf32, #tpu.memory_space<vmem_shared>>
      tpu.wait_indirect_dma semaphore(%arg17 : memref<!tpu.dma_semaphore, #tpu.memory_space<semaphore_mem>>) src(%dma_wait3A_63 : memref<128xf32, #tpu.memory_space<vmem>>) dst(%dma_wait3A_68 : memref<1048576xf32, #tpu.memory_space<vmem_shared>>)
    }
    %scan3A_45 = arith.constant 32 : i32
    %barrier3A_46 = arith.constant 0 : index
    tpu.barrier barrier_id(%barrier3A_46)
    %mul3A_47 = arith.constant 65536 : i32
    %mul3A_48 = arith.muli %arg1, %mul3A_47 : i32
    %run_scoped3A_49 = arith.constant 1 : i32
    "tpu.region"() ({
      %run_scoped3A_60 = tpu.sem_alloc : memref<!tpu.dma_semaphore, #tpu.memory_space<semaphore_mem>>
      %dma_start3A_61 = arith.constant 0 : i32
      %dma_start3A_62 = tpu.memref_slice %arg5[%run_scoped3A_49, %arg0, %arg1, %dma_start3A_61] : memref<2x2x16x65536xf32, #tpu.memory_space<hbm>> -> memref<1x1x1x65536xf32, #tpu.memory_space<hbm>>
      %dma_start3A_63 = tpu.memref_squeeze %dma_start3A_62 : memref<1x1x1x65536xf32, #tpu.memory_space<hbm>> -> memref<65536xf32, #tpu.memory_space<hbm>>
      %dma_start3A_64 = tpu.memref_slice %arg15[%mul3A_48] : memref<1048576xf32, #tpu.memory_space<vmem_shared>> -> memref<65536xf32, #tpu.memory_space<vmem_shared>>
      tpu.enqueue_dma source(%dma_start3A_64 : memref<65536xf32, #tpu.memory_space<vmem_shared>>) target(%dma_start3A_63 : memref<65536xf32, #tpu.memory_space<hbm>>) target_semaphore(%run_scoped3A_60 : memref<!tpu.dma_semaphore, #tpu.memory_space<semaphore_mem>>)
      %dma_wait3A_65 = arith.constant 0 : i32
      %dma_wait3A_66 = tpu.memref_slice %arg5[%run_scoped3A_49, %arg0, %arg1, %dma_wait3A_65] : memref<2x2x16x65536xf32, #tpu.memory_space<hbm>> -> memref<1x1x1x65536xf32, #tpu.memory_space<hbm>>
      %dma_wait3A_67 = tpu.memref_squeeze %dma_wait3A_66 : memref<1x1x1x65536xf32, #tpu.memory_space<hbm>> -> memref<65536xf32, #tpu.memory_space<hbm>>
      %dma_wait3A_68 = tpu.memref_slice %arg15[%mul3A_48] : memref<1048576xf32, #tpu.memory_space<vmem_shared>> -> memref<65536xf32, #tpu.memory_space<vmem_shared>>
      tpu.wait_dma2 semaphore(%run_scoped3A_60 : memref<!tpu.dma_semaphore, #tpu.memory_space<semaphore_mem>>) src(%dma_wait3A_68 : memref<65536xf32, #tpu.memory_space<vmem_shared>>) dst(%dma_wait3A_67 : memref<65536xf32, #tpu.memory_space<hbm>>)
      tpu.yield
    }) : () -> ()
    %barrier3A_50 = arith.constant 0 : index
    tpu.barrier barrier_id(%barrier3A_50)
    %scan3A_51 = arith.constant 0 : i32
    %scan3A_52 = arith.constant 0 : i32
    %scan3A_53 = arith.constant 32 : i32
    %scan3A_54 = arith.addi %scan3A_52, %scan3A_53 : i32
    %scan3A_55 = arith.constant 1 : i32
    scf.for %scan3A_60 = %scan3A_52 to %scan3A_54 step %scan3A_55  : i32 {
      %dma_wait3A_61 = arith.constant 0 : i32
      %dma_wait3A_62 = tpu.memref_slice %arg14[%scan3A_60, %dma_wait3A_61] : memref<32x128xf32, #tpu.memory_space<vmem>> -> memref<1x128xf32, #tpu.memory_space<vmem>>
      %dma_wait3A_63 = tpu.memref_squeeze %dma_wait3A_62 : memref<1x128xf32, #tpu.memory_space<vmem>> -> memref<128xf32, #tpu.memory_space<vmem>>
      %dma_wait3A_64 = arith.constant 0 : i32
      %dma_wait3A_65 = tpu.memref_slice %arg11[%scan3A_60, %dma_wait3A_64] : memref<32x128xi32, #tpu.memory_space<vmem>> -> memref<1x128xi32, #tpu.memory_space<vmem>>
      %dma_wait3A_66 = tpu.memref_squeeze %dma_wait3A_65 : memref<1x128xi32, #tpu.memory_space<vmem>> -> memref<128xi32, #tpu.memory_space<vmem>>
      %dma_wait3A_67 = arith.constant 0 : i32
      %dma_wait3A_68 = tpu.memref_slice %arg16[%dma_wait3A_67] : memref<2048xf32, #tpu.memory_space<vmem_shared>> -> memref<2048xf32, #tpu.memory_space<vmem_shared>>
      tpu.wait_indirect_dma semaphore(%arg18 : memref<!tpu.dma_semaphore, #tpu.memory_space<semaphore_mem>>) src(%dma_wait3A_63 : memref<128xf32, #tpu.memory_space<vmem>>) dst(%dma_wait3A_68 : memref<2048xf32, #tpu.memory_space<vmem_shared>>)
    }
    %scan3A_56 = arith.constant 32 : i32
    %barrier3A_57 = arith.constant 0 : index
    tpu.barrier barrier_id(%barrier3A_57)
    %eq3A = arith.constant 0 : i32
    %eq3A_58 = arith.cmpi eq, %arg1, %eq3A : i32
    %convert_element_type3A = arith.extui %eq3A_58 : i1 to i32
    %cond3A = arith.constant 0 : i32
    %cond3A_59 = arith.cmpi ne, %convert_element_type3A, %cond3A : i32
    scf.if %cond3A_59 {
      "tpu.region"() ({
        %run_scoped3A_60 = tpu.sem_alloc : memref<!tpu.dma_semaphore, #tpu.memory_space<semaphore_mem>>
        %dma_start3A_61 = arith.constant 0 : i32
        %dma_start3A_62 = tpu.memref_slice %arg6[%arg0, %dma_start3A_61] : memref<2x2048xf32, #tpu.memory_space<hbm>> -> memref<1x2048xf32, #tpu.memory_space<hbm>>
        %dma_start3A_63 = tpu.memref_squeeze %dma_start3A_62 : memref<1x2048xf32, #tpu.memory_space<hbm>> -> memref<2048xf32, #tpu.memory_space<hbm>>
        tpu.enqueue_dma source(%arg16 : memref<2048xf32, #tpu.memory_space<vmem_shared>>) target(%dma_start3A_63 : memref<2048xf32, #tpu.memory_space<hbm>>) target_semaphore(%run_scoped3A_60 : memref<!tpu.dma_semaphore, #tpu.memory_space<semaphore_mem>>)
        %dma_wait3A_64 = arith.constant 0 : i32
        %dma_wait3A_65 = tpu.memref_slice %arg6[%arg0, %dma_wait3A_64] : memref<2x2048xf32, #tpu.memory_space<hbm>> -> memref<1x2048xf32, #tpu.memory_space<hbm>>
        %dma_wait3A_66 = tpu.memref_squeeze %dma_wait3A_65 : memref<1x2048xf32, #tpu.memory_space<hbm>> -> memref<2048xf32, #tpu.memory_space<hbm>>
        tpu.wait_dma2 semaphore(%run_scoped3A_60 : memref<!tpu.dma_semaphore, #tpu.memory_space<semaphore_mem>>) src(%arg16 : memref<2048xf32, #tpu.memory_space<vmem_shared>>) dst(%dma_wait3A_66 : memref<2048xf32, #tpu.memory_space<hbm>>)
        tpu.yield
      }) : () -> ()
    } else {
    }
    return
  }
}

module attributes {stable_mosaic.version = 14 : i64} {
  func.func @_prescale_body(%arg0: i32, %arg1: i32, %arg2: memref<1x1x16x65536xf32, #tpu.memory_space<vmem>>, %arg3: memref<2x2048xf32, #tpu.memory_space<vmem>>, %arg4: memref<1x1x1024x1024xbf16, #tpu.memory_space<vmem>>) attributes {dimension_semantics = [#tpu.dimension_semantics<parallel>, #tpu.dimension_semantics<parallel>], iteration_bounds = array<i64: 2, 2>, scalar_prefetch = 0 : i64, scratch_operands = 0 : i64, tpu.core_type = #tpu.core_type<tc>, window_params = [{transform_indices = @transform_0, window_bounds = array<i64: 1, 1, 16, 65536>}, {pipeline_mode = #tpu.pipeline_mode<synchronous>, transform_indices = @transform_1, window_bounds = array<i64: 2, 2048>}, {transform_indices = @transform_2, window_bounds = array<i64: 1, 1, 1024, 1024>}]} {
    %mul3A = arith.constant 1024 : i32
    %mul3A_0 = arith.muli %arg1, %mul3A : i32
    %get3A = arith.constant 0 : index
    %get3A_1 = arith.index_cast %mul3A_0 : i32 to index
    %get3A_2 = vector.load %arg3[%get3A, %get3A_1] : memref<2x2048xf32, #tpu.memory_space<vmem>>, vector<1x1024xf32>
    %get3A_3 = vector.shape_cast %get3A_2 : vector<1x1024xf32> to vector<1024xf32>
    %mul3A_4 = arith.constant 1024 : i32
    %mul3A_5 = arith.muli %arg1, %mul3A_4 : i32
    %get3A_6 = arith.constant 1 : index
    %get3A_7 = arith.index_cast %mul3A_5 : i32 to index
    %get3A_8 = vector.load %arg3[%get3A_6, %get3A_7] : memref<2x2048xf32, #tpu.memory_space<vmem>>, vector<1x1024xf32>
    %get3A_9 = vector.shape_cast %get3A_8 : vector<1x1024xf32> to vector<1024xf32>
    %add3A = arith.addf %get3A_3, %get3A_9 : vector<1024xf32>
    %gt3A = arith.constant 0.000000e+00 : f32
    %gt3A_10 = vector.broadcast %gt3A : f32 to vector<1024xf32>
    %gt3A_11 = arith.cmpf ogt, %add3A, %gt3A_10 : vector<1024xf32>
    %div3A = arith.constant 1.000000e+00 : f32
    %div3A_12 = vector.broadcast %div3A : f32 to vector<1024xf32>
    %div3A_13 = arith.divf %div3A_12, %add3A : vector<1024xf32>
    %jit3A = arith.constant 0.000000e+00 : f32
    %broadcast_in_dim3A = vector.broadcast %jit3A : f32 to vector<1024xf32>
    %select_n3A = arith.select %gt3A_11, %div3A_13, %broadcast_in_dim3A : vector<1024xi1>, vector<1024xf32>
    %get3A_14 = arith.constant 0 : index
    %get3A_15 = arith.constant 0 : index
    %get3A_16 = arith.constant 0 : index
    %get3A_17 = arith.constant 0 : index
    %get3A_18 = vector.load %arg2[%get3A_14, %get3A_15, %get3A_16, %get3A_17] : memref<1x1x16x65536xf32, #tpu.memory_space<vmem>>, vector<1x1x1x65536xf32>
    %get3A_19 = vector.shape_cast %get3A_18 : vector<1x1x1x65536xf32> to vector<65536xf32>
    %reshape3A = vector.shape_cast %get3A_19 : vector<65536xf32> to vector<64x1024xf32>
    %broadcast_in_dim3A_20 = vector.shape_cast %select_n3A : vector<1024xf32> to vector<1x1024xf32>
    %mul3A_21 = vector.broadcast %broadcast_in_dim3A_20 : vector<1x1024xf32> to vector<64x1024xf32>
    %mul3A_22 = arith.mulf %reshape3A, %mul3A_21 : vector<64x1024xf32>
    %convert_element_type3A = arith.truncf %mul3A_22 : vector<64x1024xf32> to vector<64x1024xbf16>
    %swap3A = arith.constant 0 : index
    %swap3A_23 = arith.constant 0 : index
    %swap3A_24 = arith.constant 0 : index
    %swap3A_25 = arith.constant 0 : index
    %swap3A_26 = vector.load %arg4[%swap3A, %swap3A_23, %swap3A_24, %swap3A_25] : memref<1x1x1024x1024xbf16, #tpu.memory_space<vmem>>, vector<1x1x64x1024xbf16>
    %swap3A_27 = vector.shape_cast %swap3A_26 : vector<1x1x64x1024xbf16> to vector<64x1024xbf16>
    %swap3A_28 = vector.shape_cast %convert_element_type3A : vector<64x1024xbf16> to vector<1x1x64x1024xbf16>
    tpu.vector_store %arg4[%swap3A, %swap3A_23, %swap3A_24, %swap3A_25], %swap3A_28 {strides = array<i32>} : memref<1x1x1024x1024xbf16, #tpu.memory_space<vmem>>, vector<1x1x64x1024xbf16>,
    %get3A_29 = arith.constant 0 : index
    %get3A_30 = arith.constant 0 : index
    %get3A_31 = arith.constant 1 : index
    %get3A_32 = arith.constant 0 : index
    %get3A_33 = vector.load %arg2[%get3A_29, %get3A_30, %get3A_31, %get3A_32] : memref<1x1x16x65536xf32, #tpu.memory_space<vmem>>, vector<1x1x1x65536xf32>
    %get3A_34 = vector.shape_cast %get3A_33 : vector<1x1x1x65536xf32> to vector<65536xf32>
    %reshape3A_35 = vector.shape_cast %get3A_34 : vector<65536xf32> to vector<64x1024xf32>
    %broadcast_in_dim3A_36 = vector.shape_cast %select_n3A : vector<1024xf32> to vector<1x1024xf32>
    %mul3A_37 = vector.broadcast %broadcast_in_dim3A_36 : vector<1x1024xf32> to vector<64x1024xf32>
    %mul3A_38 = arith.mulf %reshape3A_35, %mul3A_37 : vector<64x1024xf32>
    %convert_element_type3A_39 = arith.truncf %mul3A_38 : vector<64x1024xf32> to vector<64x1024xbf16>
    %swap3A_40 = arith.constant 0 : index
    %swap3A_41 = arith.constant 0 : index
    %swap3A_42 = arith.constant 64 : index
    %swap3A_43 = arith.constant 0 : index
    %swap3A_44 = vector.load %arg4[%swap3A_40, %swap3A_41, %swap3A_42, %swap3A_43] : memref<1x1x1024x1024xbf16, #tpu.memory_space<vmem>>, vector<1x1x64x1024xbf16>
    %swap3A_45 = vector.shape_cast %swap3A_44 : vector<1x1x64x1024xbf16> to vector<64x1024xbf16>
    %swap3A_46 = vector.shape_cast %convert_element_type3A_39 : vector<64x1024xbf16> to vector<1x1x64x1024xbf16>
    tpu.vector_store %arg4[%swap3A_40, %swap3A_41, %swap3A_42, %swap3A_43], %swap3A_46 {strides = array<i32>} : memref<1x1x1024x1024xbf16, #tpu.memory_space<vmem>>, vector<1x1x64x1024xbf16>,
    %get3A_47 = arith.constant 0 : index
    %get3A_48 = arith.constant 0 : index
    %get3A_49 = arith.constant 2 : index
    %get3A_50 = arith.constant 0 : index
    %get3A_51 = vector.load %arg2[%get3A_47, %get3A_48, %get3A_49, %get3A_50] : memref<1x1x16x65536xf32, #tpu.memory_space<vmem>>, vector<1x1x1x65536xf32>
    %get3A_52 = vector.shape_cast %get3A_51 : vector<1x1x1x65536xf32> to vector<65536xf32>
    %reshape3A_53 = vector.shape_cast %get3A_52 : vector<65536xf32> to vector<64x1024xf32>
    %broadcast_in_dim3A_54 = vector.shape_cast %select_n3A : vector<1024xf32> to vector<1x1024xf32>
    %mul3A_55 = vector.broadcast %broadcast_in_dim3A_54 : vector<1x1024xf32> to vector<64x1024xf32>
    %mul3A_56 = arith.mulf %reshape3A_53, %mul3A_55 : vector<64x1024xf32>
    %convert_element_type3A_57 = arith.truncf %mul3A_56 : vector<64x1024xf32> to vector<64x1024xbf16>
    %swap3A_58 = arith.constant 0 : index
    %swap3A_59 = arith.constant 0 : index
    %swap3A_60 = arith.constant 128 : index
    %swap3A_61 = arith.constant 0 : index
    %swap3A_62 = vector.load %arg4[%swap3A_58, %swap3A_59, %swap3A_60, %swap3A_61] : memref<1x1x1024x1024xbf16, #tpu.memory_space<vmem>>, vector<1x1x64x1024xbf16>
    %swap3A_63 = vector.shape_cast %swap3A_62 : vector<1x1x64x1024xbf16> to vector<64x1024xbf16>
    %swap3A_64 = vector.shape_cast %convert_element_type3A_57 : vector<64x1024xbf16> to vector<1x1x64x1024xbf16>
    tpu.vector_store %arg4[%swap3A_58, %swap3A_59, %swap3A_60, %swap3A_61], %swap3A_64 {strides = array<i32>} : memref<1x1x1024x1024xbf16, #tpu.memory_space<vmem>>, vector<1x1x64x1024xbf16>,
    %get3A_65 = arith.constant 0 : index
    %get3A_66 = arith.constant 0 : index
    %get3A_67 = arith.constant 3 : index
    %get3A_68 = arith.constant 0 : index
    %get3A_69 = vector.load %arg2[%get3A_65, %get3A_66, %get3A_67, %get3A_68] : memref<1x1x16x65536xf32, #tpu.memory_space<vmem>>, vector<1x1x1x65536xf32>
    %get3A_70 = vector.shape_cast %get3A_69 : vector<1x1x1x65536xf32> to vector<65536xf32>
    %reshape3A_71 = vector.shape_cast %get3A_70 : vector<65536xf32> to vector<64x1024xf32>
    %broadcast_in_dim3A_72 = vector.shape_cast %select_n3A : vector<1024xf32> to vector<1x1024xf32>
    %mul3A_73 = vector.broadcast %broadcast_in_dim3A_72 : vector<1x1024xf32> to vector<64x1024xf32>
    %mul3A_74 = arith.mulf %reshape3A_71, %mul3A_73 : vector<64x1024xf32>
    %convert_element_type3A_75 = arith.truncf %mul3A_74 : vector<64x1024xf32> to vector<64x1024xbf16>
    %swap3A_76 = arith.constant 0 : index
    %swap3A_77 = arith.constant 0 : index
    %swap3A_78 = arith.constant 192 : index
    %swap3A_79 = arith.constant 0 : index
    %swap3A_80 = vector.load %arg4[%swap3A_76, %swap3A_77, %swap3A_78, %swap3A_79] : memref<1x1x1024x1024xbf16, #tpu.memory_space<vmem>>, vector<1x1x64x1024xbf16>
    %swap3A_81 = vector.shape_cast %swap3A_80 : vector<1x1x64x1024xbf16> to vector<64x1024xbf16>
    %swap3A_82 = vector.shape_cast %convert_element_type3A_75 : vector<64x1024xbf16> to vector<1x1x64x1024xbf16>
    tpu.vector_store %arg4[%swap3A_76, %swap3A_77, %swap3A_78, %swap3A_79], %swap3A_82 {strides = array<i32>} : memref<1x1x1024x1024xbf16, #tpu.memory_space<vmem>>, vector<1x1x64x1024xbf16>,
    %get3A_83 = arith.constant 0 : index
    %get3A_84 = arith.constant 0 : index
    %get3A_85 = arith.constant 4 : index
    %get3A_86 = arith.constant 0 : index
    %get3A_87 = vector.load %arg2[%get3A_83, %get3A_84, %get3A_85, %get3A_86] : memref<1x1x16x65536xf32, #tpu.memory_space<vmem>>, vector<1x1x1x65536xf32>
    %get3A_88 = vector.shape_cast %get3A_87 : vector<1x1x1x65536xf32> to vector<65536xf32>
    %reshape3A_89 = vector.shape_cast %get3A_88 : vector<65536xf32> to vector<64x1024xf32>
    %broadcast_in_dim3A_90 = vector.shape_cast %select_n3A : vector<1024xf32> to vector<1x1024xf32>
    %mul3A_91 = vector.broadcast %broadcast_in_dim3A_90 : vector<1x1024xf32> to vector<64x1024xf32>
    %mul3A_92 = arith.mulf %reshape3A_89, %mul3A_91 : vector<64x1024xf32>
    %convert_element_type3A_93 = arith.truncf %mul3A_92 : vector<64x1024xf32> to vector<64x1024xbf16>
    %swap3A_94 = arith.constant 0 : index
    %swap3A_95 = arith.constant 0 : index
    %swap3A_96 = arith.constant 256 : index
    %swap3A_97 = arith.constant 0 : index
    %swap3A_98 = vector.load %arg4[%swap3A_94, %swap3A_95, %swap3A_96, %swap3A_97] : memref<1x1x1024x1024xbf16, #tpu.memory_space<vmem>>, vector<1x1x64x1024xbf16>
    %swap3A_99 = vector.shape_cast %swap3A_98 : vector<1x1x64x1024xbf16> to vector<64x1024xbf16>
    %swap3A_100 = vector.shape_cast %convert_element_type3A_93 : vector<64x1024xbf16> to vector<1x1x64x1024xbf16>
    tpu.vector_store %arg4[%swap3A_94, %swap3A_95, %swap3A_96, %swap3A_97], %swap3A_100 {strides = array<i32>} : memref<1x1x1024x1024xbf16, #tpu.memory_space<vmem>>, vector<1x1x64x1024xbf16>,
    %get3A_101 = arith.constant 0 : index
    %get3A_102 = arith.constant 0 : index
    %get3A_103 = arith.constant 5 : index
    %get3A_104 = arith.constant 0 : index
    %get3A_105 = vector.load %arg2[%get3A_101, %get3A_102, %get3A_103, %get3A_104] : memref<1x1x16x65536xf32, #tpu.memory_space<vmem>>, vector<1x1x1x65536xf32>
    %get3A_106 = vector.shape_cast %get3A_105 : vector<1x1x1x65536xf32> to vector<65536xf32>
    %reshape3A_107 = vector.shape_cast %get3A_106 : vector<65536xf32> to vector<64x1024xf32>
    %broadcast_in_dim3A_108 = vector.shape_cast %select_n3A : vector<1024xf32> to vector<1x1024xf32>
    %mul3A_109 = vector.broadcast %broadcast_in_dim3A_108 : vector<1x1024xf32> to vector<64x1024xf32>
    %mul3A_110 = arith.mulf %reshape3A_107, %mul3A_109 : vector<64x1024xf32>
    %convert_element_type3A_111 = arith.truncf %mul3A_110 : vector<64x1024xf32> to vector<64x1024xbf16>
    %swap3A_112 = arith.constant 0 : index
    %swap3A_113 = arith.constant 0 : index
    %swap3A_114 = arith.constant 320 : index
    %swap3A_115 = arith.constant 0 : index
    %swap3A_116 = vector.load %arg4[%swap3A_112, %swap3A_113, %swap3A_114, %swap3A_115] : memref<1x1x1024x1024xbf16, #tpu.memory_space<vmem>>, vector<1x1x64x1024xbf16>
    %swap3A_117 = vector.shape_cast %swap3A_116 : vector<1x1x64x1024xbf16> to vector<64x1024xbf16>
    %swap3A_118 = vector.shape_cast %convert_element_type3A_111 : vector<64x1024xbf16> to vector<1x1x64x1024xbf16>
    tpu.vector_store %arg4[%swap3A_112, %swap3A_113, %swap3A_114, %swap3A_115], %swap3A_118 {strides = array<i32>} : memref<1x1x1024x1024xbf16, #tpu.memory_space<vmem>>, vector<1x1x64x1024xbf16>,
    %get3A_119 = arith.constant 0 : index
    %get3A_120 = arith.constant 0 : index
    %get3A_121 = arith.constant 6 : index
    %get3A_122 = arith.constant 0 : index
    %get3A_123 = vector.load %arg2[%get3A_119, %get3A_120, %get3A_121, %get3A_122] : memref<1x1x16x65536xf32, #tpu.memory_space<vmem>>, vector<1x1x1x65536xf32>
    %get3A_124 = vector.shape_cast %get3A_123 : vector<1x1x1x65536xf32> to vector<65536xf32>
    %reshape3A_125 = vector.shape_cast %get3A_124 : vector<65536xf32> to vector<64x1024xf32>
    %broadcast_in_dim3A_126 = vector.shape_cast %select_n3A : vector<1024xf32> to vector<1x1024xf32>
    %mul3A_127 = vector.broadcast %broadcast_in_dim3A_126 : vector<1x1024xf32> to vector<64x1024xf32>
    %mul3A_128 = arith.mulf %reshape3A_125, %mul3A_127 : vector<64x1024xf32>
    %convert_element_type3A_129 = arith.truncf %mul3A_128 : vector<64x1024xf32> to vector<64x1024xbf16>
    %swap3A_130 = arith.constant 0 : index
    %swap3A_131 = arith.constant 0 : index
    %swap3A_132 = arith.constant 384 : index
    %swap3A_133 = arith.constant 0 : index
    %swap3A_134 = vector.load %arg4[%swap3A_130, %swap3A_131, %swap3A_132, %swap3A_133] : memref<1x1x1024x1024xbf16, #tpu.memory_space<vmem>>, vector<1x1x64x1024xbf16>
    %swap3A_135 = vector.shape_cast %swap3A_134 : vector<1x1x64x1024xbf16> to vector<64x1024xbf16>
    %swap3A_136 = vector.shape_cast %convert_element_type3A_129 : vector<64x1024xbf16> to vector<1x1x64x1024xbf16>
    tpu.vector_store %arg4[%swap3A_130, %swap3A_131, %swap3A_132, %swap3A_133], %swap3A_136 {strides = array<i32>} : memref<1x1x1024x1024xbf16, #tpu.memory_space<vmem>>, vector<1x1x64x1024xbf16>,
    %get3A_137 = arith.constant 0 : index
    %get3A_138 = arith.constant 0 : index
    %get3A_139 = arith.constant 7 : index
    %get3A_140 = arith.constant 0 : index
    %get3A_141 = vector.load %arg2[%get3A_137, %get3A_138, %get3A_139, %get3A_140] : memref<1x1x16x65536xf32, #tpu.memory_space<vmem>>, vector<1x1x1x65536xf32>
    %get3A_142 = vector.shape_cast %get3A_141 : vector<1x1x1x65536xf32> to vector<65536xf32>
    %reshape3A_143 = vector.shape_cast %get3A_142 : vector<65536xf32> to vector<64x1024xf32>
    %broadcast_in_dim3A_144 = vector.shape_cast %select_n3A : vector<1024xf32> to vector<1x1024xf32>
    %mul3A_145 = vector.broadcast %broadcast_in_dim3A_144 : vector<1x1024xf32> to vector<64x1024xf32>
    %mul3A_146 = arith.mulf %reshape3A_143, %mul3A_145 : vector<64x1024xf32>
    %convert_element_type3A_147 = arith.truncf %mul3A_146 : vector<64x1024xf32> to vector<64x1024xbf16>
    %swap3A_148 = arith.constant 0 : index
    %swap3A_149 = arith.constant 0 : index
    %swap3A_150 = arith.constant 448 : index
    %swap3A_151 = arith.constant 0 : index
    %swap3A_152 = vector.load %arg4[%swap3A_148, %swap3A_149, %swap3A_150, %swap3A_151] : memref<1x1x1024x1024xbf16, #tpu.memory_space<vmem>>, vector<1x1x64x1024xbf16>
    %swap3A_153 = vector.shape_cast %swap3A_152 : vector<1x1x64x1024xbf16> to vector<64x1024xbf16>
    %swap3A_154 = vector.shape_cast %convert_element_type3A_147 : vector<64x1024xbf16> to vector<1x1x64x1024xbf16>
    tpu.vector_store %arg4[%swap3A_148, %swap3A_149, %swap3A_150, %swap3A_151], %swap3A_154 {strides = array<i32>} : memref<1x1x1024x1024xbf16, #tpu.memory_space<vmem>>, vector<1x1x64x1024xbf16>,
    %get3A_155 = arith.constant 0 : index
    %get3A_156 = arith.constant 0 : index
    %get3A_157 = arith.constant 8 : index
    %get3A_158 = arith.constant 0 : index
    %get3A_159 = vector.load %arg2[%get3A_155, %get3A_156, %get3A_157, %get3A_158] : memref<1x1x16x65536xf32, #tpu.memory_space<vmem>>, vector<1x1x1x65536xf32>
    %get3A_160 = vector.shape_cast %get3A_159 : vector<1x1x1x65536xf32> to vector<65536xf32>
    %reshape3A_161 = vector.shape_cast %get3A_160 : vector<65536xf32> to vector<64x1024xf32>
    %broadcast_in_dim3A_162 = vector.shape_cast %select_n3A : vector<1024xf32> to vector<1x1024xf32>
    %mul3A_163 = vector.broadcast %broadcast_in_dim3A_162 : vector<1x1024xf32> to vector<64x1024xf32>
    %mul3A_164 = arith.mulf %reshape3A_161, %mul3A_163 : vector<64x1024xf32>
    %convert_element_type3A_165 = arith.truncf %mul3A_164 : vector<64x1024xf32> to vector<64x1024xbf16>
    %swap3A_166 = arith.constant 0 : index
    %swap3A_167 = arith.constant 0 : index
    %swap3A_168 = arith.constant 512 : index
    %swap3A_169 = arith.constant 0 : index
    %swap3A_170 = vector.load %arg4[%swap3A_166, %swap3A_167, %swap3A_168, %swap3A_169] : memref<1x1x1024x1024xbf16, #tpu.memory_space<vmem>>, vector<1x1x64x1024xbf16>
    %swap3A_171 = vector.shape_cast %swap3A_170 : vector<1x1x64x1024xbf16> to vector<64x1024xbf16>
    %swap3A_172 = vector.shape_cast %convert_element_type3A_165 : vector<64x1024xbf16> to vector<1x1x64x1024xbf16>
    tpu.vector_store %arg4[%swap3A_166, %swap3A_167, %swap3A_168, %swap3A_169], %swap3A_172 {strides = array<i32>} : memref<1x1x1024x1024xbf16, #tpu.memory_space<vmem>>, vector<1x1x64x1024xbf16>,
    %get3A_173 = arith.constant 0 : index
    %get3A_174 = arith.constant 0 : index
    %get3A_175 = arith.constant 9 : index
    %get3A_176 = arith.constant 0 : index
    %get3A_177 = vector.load %arg2[%get3A_173, %get3A_174, %get3A_175, %get3A_176] : memref<1x1x16x65536xf32, #tpu.memory_space<vmem>>, vector<1x1x1x65536xf32>
    %get3A_178 = vector.shape_cast %get3A_177 : vector<1x1x1x65536xf32> to vector<65536xf32>
    %reshape3A_179 = vector.shape_cast %get3A_178 : vector<65536xf32> to vector<64x1024xf32>
    %broadcast_in_dim3A_180 = vector.shape_cast %select_n3A : vector<1024xf32> to vector<1x1024xf32>
    %mul3A_181 = vector.broadcast %broadcast_in_dim3A_180 : vector<1x1024xf32> to vector<64x1024xf32>
    %mul3A_182 = arith.mulf %reshape3A_179, %mul3A_181 : vector<64x1024xf32>
    %convert_element_type3A_183 = arith.truncf %mul3A_182 : vector<64x1024xf32> to vector<64x1024xbf16>
    %swap3A_184 = arith.constant 0 : index
    %swap3A_185 = arith.constant 0 : index
    %swap3A_186 = arith.constant 576 : index
    %swap3A_187 = arith.constant 0 : index
    %swap3A_188 = vector.load %arg4[%swap3A_184, %swap3A_185, %swap3A_186, %swap3A_187] : memref<1x1x1024x1024xbf16, #tpu.memory_space<vmem>>, vector<1x1x64x1024xbf16>
    %swap3A_189 = vector.shape_cast %swap3A_188 : vector<1x1x64x1024xbf16> to vector<64x1024xbf16>
    %swap3A_190 = vector.shape_cast %convert_element_type3A_183 : vector<64x1024xbf16> to vector<1x1x64x1024xbf16>
    tpu.vector_store %arg4[%swap3A_184, %swap3A_185, %swap3A_186, %swap3A_187], %swap3A_190 {strides = array<i32>} : memref<1x1x1024x1024xbf16, #tpu.memory_space<vmem>>, vector<1x1x64x1024xbf16>,
    %get3A_191 = arith.constant 0 : index
    %get3A_192 = arith.constant 0 : index
    %get3A_193 = arith.constant 10 : index
    %get3A_194 = arith.constant 0 : index
    %get3A_195 = vector.load %arg2[%get3A_191, %get3A_192, %get3A_193, %get3A_194] : memref<1x1x16x65536xf32, #tpu.memory_space<vmem>>, vector<1x1x1x65536xf32>
    %get3A_196 = vector.shape_cast %get3A_195 : vector<1x1x1x65536xf32> to vector<65536xf32>
    %reshape3A_197 = vector.shape_cast %get3A_196 : vector<65536xf32> to vector<64x1024xf32>
    %broadcast_in_dim3A_198 = vector.shape_cast %select_n3A : vector<1024xf32> to vector<1x1024xf32>
    %mul3A_199 = vector.broadcast %broadcast_in_dim3A_198 : vector<1x1024xf32> to vector<64x1024xf32>
    %mul3A_200 = arith.mulf %reshape3A_197, %mul3A_199 : vector<64x1024xf32>
    %convert_element_type3A_201 = arith.truncf %mul3A_200 : vector<64x1024xf32> to vector<64x1024xbf16>
    %swap3A_202 = arith.constant 0 : index
    %swap3A_203 = arith.constant 0 : index
    %swap3A_204 = arith.constant 640 : index
    %swap3A_205 = arith.constant 0 : index
    %swap3A_206 = vector.load %arg4[%swap3A_202, %swap3A_203, %swap3A_204, %swap3A_205] : memref<1x1x1024x1024xbf16, #tpu.memory_space<vmem>>, vector<1x1x64x1024xbf16>
    %swap3A_207 = vector.shape_cast %swap3A_206 : vector<1x1x64x1024xbf16> to vector<64x1024xbf16>
    %swap3A_208 = vector.shape_cast %convert_element_type3A_201 : vector<64x1024xbf16> to vector<1x1x64x1024xbf16>
    tpu.vector_store %arg4[%swap3A_202, %swap3A_203, %swap3A_204, %swap3A_205], %swap3A_208 {strides = array<i32>} : memref<1x1x1024x1024xbf16, #tpu.memory_space<vmem>>, vector<1x1x64x1024xbf16>,
    %get3A_209 = arith.constant 0 : index
    %get3A_210 = arith.constant 0 : index
    %get3A_211 = arith.constant 11 : index
    %get3A_212 = arith.constant 0 : index
    %get3A_213 = vector.load %arg2[%get3A_209, %get3A_210, %get3A_211, %get3A_212] : memref<1x1x16x65536xf32, #tpu.memory_space<vmem>>, vector<1x1x1x65536xf32>
    %get3A_214 = vector.shape_cast %get3A_213 : vector<1x1x1x65536xf32> to vector<65536xf32>
    %reshape3A_215 = vector.shape_cast %get3A_214 : vector<65536xf32> to vector<64x1024xf32>
    %broadcast_in_dim3A_216 = vector.shape_cast %select_n3A : vector<1024xf32> to vector<1x1024xf32>
    %mul3A_217 = vector.broadcast %broadcast_in_dim3A_216 : vector<1x1024xf32> to vector<64x1024xf32>
    %mul3A_218 = arith.mulf %reshape3A_215, %mul3A_217 : vector<64x1024xf32>
    %convert_element_type3A_219 = arith.truncf %mul3A_218 : vector<64x1024xf32> to vector<64x1024xbf16>
    %swap3A_220 = arith.constant 0 : index
    %swap3A_221 = arith.constant 0 : index
    %swap3A_222 = arith.constant 704 : index
    %swap3A_223 = arith.constant 0 : index
    %swap3A_224 = vector.load %arg4[%swap3A_220, %swap3A_221, %swap3A_222, %swap3A_223] : memref<1x1x1024x1024xbf16, #tpu.memory_space<vmem>>, vector<1x1x64x1024xbf16>
    %swap3A_225 = vector.shape_cast %swap3A_224 : vector<1x1x64x1024xbf16> to vector<64x1024xbf16>
    %swap3A_226 = vector.shape_cast %convert_element_type3A_219 : vector<64x1024xbf16> to vector<1x1x64x1024xbf16>
    tpu.vector_store %arg4[%swap3A_220, %swap3A_221, %swap3A_222, %swap3A_223], %swap3A_226 {strides = array<i32>} : memref<1x1x1024x1024xbf16, #tpu.memory_space<vmem>>, vector<1x1x64x1024xbf16>,
    %get3A_227 = arith.constant 0 : index
    %get3A_228 = arith.constant 0 : index
    %get3A_229 = arith.constant 12 : index
    %get3A_230 = arith.constant 0 : index
    %get3A_231 = vector.load %arg2[%get3A_227, %get3A_228, %get3A_229, %get3A_230] : memref<1x1x16x65536xf32, #tpu.memory_space<vmem>>, vector<1x1x1x65536xf32>
    %get3A_232 = vector.shape_cast %get3A_231 : vector<1x1x1x65536xf32> to vector<65536xf32>
    %reshape3A_233 = vector.shape_cast %get3A_232 : vector<65536xf32> to vector<64x1024xf32>
    %broadcast_in_dim3A_234 = vector.shape_cast %select_n3A : vector<1024xf32> to vector<1x1024xf32>
    %mul3A_235 = vector.broadcast %broadcast_in_dim3A_234 : vector<1x1024xf32> to vector<64x1024xf32>
    %mul3A_236 = arith.mulf %reshape3A_233, %mul3A_235 : vector<64x1024xf32>
    %convert_element_type3A_237 = arith.truncf %mul3A_236 : vector<64x1024xf32> to vector<64x1024xbf16>
    %swap3A_238 = arith.constant 0 : index
    %swap3A_239 = arith.constant 0 : index
    %swap3A_240 = arith.constant 768 : index
    %swap3A_241 = arith.constant 0 : index
    %swap3A_242 = vector.load %arg4[%swap3A_238, %swap3A_239, %swap3A_240, %swap3A_241] : memref<1x1x1024x1024xbf16, #tpu.memory_space<vmem>>, vector<1x1x64x1024xbf16>
    %swap3A_243 = vector.shape_cast %swap3A_242 : vector<1x1x64x1024xbf16> to vector<64x1024xbf16>
    %swap3A_244 = vector.shape_cast %convert_element_type3A_237 : vector<64x1024xbf16> to vector<1x1x64x1024xbf16>
    tpu.vector_store %arg4[%swap3A_238, %swap3A_239, %swap3A_240, %swap3A_241], %swap3A_244 {strides = array<i32>} : memref<1x1x1024x1024xbf16, #tpu.memory_space<vmem>>, vector<1x1x64x1024xbf16>,
    %get3A_245 = arith.constant 0 : index
    %get3A_246 = arith.constant 0 : index
    %get3A_247 = arith.constant 13 : index
    %get3A_248 = arith.constant 0 : index
    %get3A_249 = vector.load %arg2[%get3A_245, %get3A_246, %get3A_247, %get3A_248] : memref<1x1x16x65536xf32, #tpu.memory_space<vmem>>, vector<1x1x1x65536xf32>
    %get3A_250 = vector.shape_cast %get3A_249 : vector<1x1x1x65536xf32> to vector<65536xf32>
    %reshape3A_251 = vector.shape_cast %get3A_250 : vector<65536xf32> to vector<64x1024xf32>
    %broadcast_in_dim3A_252 = vector.shape_cast %select_n3A : vector<1024xf32> to vector<1x1024xf32>
    %mul3A_253 = vector.broadcast %broadcast_in_dim3A_252 : vector<1x1024xf32> to vector<64x1024xf32>
    %mul3A_254 = arith.mulf %reshape3A_251, %mul3A_253 : vector<64x1024xf32>
    %convert_element_type3A_255 = arith.truncf %mul3A_254 : vector<64x1024xf32> to vector<64x1024xbf16>
    %swap3A_256 = arith.constant 0 : index
    %swap3A_257 = arith.constant 0 : index
    %swap3A_258 = arith.constant 832 : index
    %swap3A_259 = arith.constant 0 : index
    %swap3A_260 = vector.load %arg4[%swap3A_256, %swap3A_257, %swap3A_258, %swap3A_259] : memref<1x1x1024x1024xbf16, #tpu.memory_space<vmem>>, vector<1x1x64x1024xbf16>
    %swap3A_261 = vector.shape_cast %swap3A_260 : vector<1x1x64x1024xbf16> to vector<64x1024xbf16>
    %swap3A_262 = vector.shape_cast %convert_element_type3A_255 : vector<64x1024xbf16> to vector<1x1x64x1024xbf16>
    tpu.vector_store %arg4[%swap3A_256, %swap3A_257, %swap3A_258, %swap3A_259], %swap3A_262 {strides = array<i32>} : memref<1x1x1024x1024xbf16, #tpu.memory_space<vmem>>, vector<1x1x64x1024xbf16>,
    %get3A_263 = arith.constant 0 : index
    %get3A_264 = arith.constant 0 : index
    %get3A_265 = arith.constant 14 : index
    %get3A_266 = arith.constant 0 : index
    %get3A_267 = vector.load %arg2[%get3A_263, %get3A_264, %get3A_265, %get3A_266] : memref<1x1x16x65536xf32, #tpu.memory_space<vmem>>, vector<1x1x1x65536xf32>
    %get3A_268 = vector.shape_cast %get3A_267 : vector<1x1x1x65536xf32> to vector<65536xf32>
    %reshape3A_269 = vector.shape_cast %get3A_268 : vector<65536xf32> to vector<64x1024xf32>
    %broadcast_in_dim3A_270 = vector.shape_cast %select_n3A : vector<1024xf32> to vector<1x1024xf32>
    %mul3A_271 = vector.broadcast %broadcast_in_dim3A_270 : vector<1x1024xf32> to vector<64x1024xf32>
    %mul3A_272 = arith.mulf %reshape3A_269, %mul3A_271 : vector<64x1024xf32>
    %convert_element_type3A_273 = arith.truncf %mul3A_272 : vector<64x1024xf32> to vector<64x1024xbf16>
    %swap3A_274 = arith.constant 0 : index
    %swap3A_275 = arith.constant 0 : index
    %swap3A_276 = arith.constant 896 : index
    %swap3A_277 = arith.constant 0 : index
    %swap3A_278 = vector.load %arg4[%swap3A_274, %swap3A_275, %swap3A_276, %swap3A_277] : memref<1x1x1024x1024xbf16, #tpu.memory_space<vmem>>, vector<1x1x64x1024xbf16>
    %swap3A_279 = vector.shape_cast %swap3A_278 : vector<1x1x64x1024xbf16> to vector<64x1024xbf16>
    %swap3A_280 = vector.shape_cast %convert_element_type3A_273 : vector<64x1024xbf16> to vector<1x1x64x1024xbf16>
    tpu.vector_store %arg4[%swap3A_274, %swap3A_275, %swap3A_276, %swap3A_277], %swap3A_280 {strides = array<i32>} : memref<1x1x1024x1024xbf16, #tpu.memory_space<vmem>>, vector<1x1x64x1024xbf16>,
    %get3A_281 = arith.constant 0 : index
    %get3A_282 = arith.constant 0 : index
    %get3A_283 = arith.constant 15 : index
    %get3A_284 = arith.constant 0 : index
    %get3A_285 = vector.load %arg2[%get3A_281, %get3A_282, %get3A_283, %get3A_284] : memref<1x1x16x65536xf32, #tpu.memory_space<vmem>>, vector<1x1x1x65536xf32>
    %get3A_286 = vector.shape_cast %get3A_285 : vector<1x1x1x65536xf32> to vector<65536xf32>
    %reshape3A_287 = vector.shape_cast %get3A_286 : vector<65536xf32> to vector<64x1024xf32>
    %broadcast_in_dim3A_288 = vector.shape_cast %select_n3A : vector<1024xf32> to vector<1x1024xf32>
    %mul3A_289 = vector.broadcast %broadcast_in_dim3A_288 : vector<1x1024xf32> to vector<64x1024xf32>
    %mul3A_290 = arith.mulf %reshape3A_287, %mul3A_289 : vector<64x1024xf32>
    %convert_element_type3A_291 = arith.truncf %mul3A_290 : vector<64x1024xf32> to vector<64x1024xbf16>
    %swap3A_292 = arith.constant 0 : index
    %swap3A_293 = arith.constant 0 : index
    %swap3A_294 = arith.constant 960 : index
    %swap3A_295 = arith.constant 0 : index
    %swap3A_296 = vector.load %arg4[%swap3A_292, %swap3A_293, %swap3A_294, %swap3A_295] : memref<1x1x1024x1024xbf16, #tpu.memory_space<vmem>>, vector<1x1x64x1024xbf16>
    %swap3A_297 = vector.shape_cast %swap3A_296 : vector<1x1x64x1024xbf16> to vector<64x1024xbf16>
    %swap3A_298 = vector.shape_cast %convert_element_type3A_291 : vector<64x1024xbf16> to vector<1x1x64x1024xbf16>
    tpu.vector_store %arg4[%swap3A_292, %swap3A_293, %swap3A_294, %swap3A_295], %swap3A_298 {strides = array<i32>} : memref<1x1x1024x1024xbf16, #tpu.memory_space<vmem>>, vector<1x1x64x1024xbf16>,
    return
  }
  func.func @transform_0(%arg0: i32, %arg1: i32) -> (i32, i32, i32, i32) {
    %c0_i32 = arith.constant 0 : i32
    %c0_i32_0 = arith.constant 0 : i32
    %c0_i32_1 = arith.constant 0 : i32
    return %arg0, %arg1, %c0_i32, %c0_i32_0 : i32, i32, i32, i32
  }
  func.func @transform_1(%arg0: i32, %arg1: i32) -> (i32, i32) {
    %c0_i32 = arith.constant 0 : i32
    %c0_i32_0 = arith.constant 0 : i32
    %c0_i32_1 = arith.constant 0 : i32
    return %c0_i32, %c0_i32_0 : i32, i32
  }
  func.func @transform_2(%arg0: i32, %arg1: i32) -> (i32, i32, i32, i32) {
    %c0_i32 = arith.constant 0 : i32
    %c0_i32_0 = arith.constant 0 : i32
    %c0_i32_1 = arith.constant 0 : i32
    return %arg0, %arg1, %c0_i32, %c0_i32_0 : i32, i32, i32, i32
  }
}

module attributes {stable_mosaic.version = 14 : i64} {
  func.func @_mm_body(%arg0: i32, %arg1: i32, %arg2: memref<1x2x1024x1024xbf16, #tpu.memory_space<vmem>>, %arg3: memref<2x1x1024x1024xbf16, #tpu.memory_space<vmem>>, %arg4: memref<1x1x1024x1024xbf16, #tpu.memory_space<vmem>>, %arg5: memref<2x2048xf32, #tpu.memory_space<vmem>>, %arg6: memref<1024x1024xf32, #tpu.memory_space<vmem>>) attributes {dimension_semantics = [#tpu.dimension_semantics<parallel>, #tpu.dimension_semantics<parallel>], iteration_bounds = array<i64: 2, 2>, scalar_prefetch = 0 : i64, scratch_operands = 0 : i64, tpu.core_type = #tpu.core_type<tc>, window_params = [{transform_indices = @transform_0, window_bounds = array<i64: 1, 2, 1024, 1024>}, {transform_indices = @transform_1, window_bounds = array<i64: 2, 1, 1024, 1024>}, {transform_indices = @transform_2, window_bounds = array<i64: 1, 1, 1024, 1024>}, {pipeline_mode = #tpu.pipeline_mode<synchronous>, transform_indices = @transform_3, window_bounds = array<i64: 2, 2048>}, {transform_indices = @transform_4, window_bounds = array<i64: 1024, 1024>}]} {
    %get3A = arith.constant 0 : index
    %get3A_0 = arith.constant 0 : index
    %get3A_1 = arith.constant 0 : index
    %get3A_2 = arith.constant 0 : index
    %get3A_3 = vector.load %arg2[%get3A, %get3A_0, %get3A_1, %get3A_2] : memref<1x2x1024x1024xbf16, #tpu.memory_space<vmem>>, vector<1x1x1024x1024xbf16>
    %get3A_4 = vector.shape_cast %get3A_3 : vector<1x1x1024x1024xbf16> to vector<1024x1024xbf16>
    %get3A_5 = arith.constant 0 : index
    %get3A_6 = arith.constant 0 : index
    %get3A_7 = arith.constant 0 : index
    %get3A_8 = arith.constant 0 : index
    %get3A_9 = vector.load %arg3[%get3A_5, %get3A_6, %get3A_7, %get3A_8] : memref<2x1x1024x1024xbf16, #tpu.memory_space<vmem>>, vector<1x1x1024x1024xbf16>
    %get3A_10 = vector.shape_cast %get3A_9 : vector<1x1x1024x1024xbf16> to vector<1024x1024xbf16>
    %dot_general3A = arith.constant dense<0.000000e+00> : vector<1024x1024xf32>
    %dot_general3A_11 = tpu.matmul %get3A_4, %get3A_10, %dot_general3A {dimension_numbers = #tpu.dot_dimension_numbers<[1], [0], [0], [1], [0, 0, 1, 1], [], []>, transpose_lhs_hint = false} : vector<1024x1024xbf16>, vector<1024x1024xbf16>, vector<1024x1024xf32> -> vector<1024x1024xf32>
    %get3A_12 = arith.constant 0 : index
    %get3A_13 = arith.constant 1 : index
    %get3A_14 = arith.constant 0 : index
    %get3A_15 = arith.constant 0 : index
    %get3A_16 = vector.load %arg2[%get3A_12, %get3A_13, %get3A_14, %get3A_15] : memref<1x2x1024x1024xbf16, #tpu.memory_space<vmem>>, vector<1x1x1024x1024xbf16>
    %get3A_17 = vector.shape_cast %get3A_16 : vector<1x1x1024x1024xbf16> to vector<1024x1024xbf16>
    %get3A_18 = arith.constant 1 : index
    %get3A_19 = arith.constant 0 : index
    %get3A_20 = arith.constant 0 : index
    %get3A_21 = arith.constant 0 : index
    %get3A_22 = vector.load %arg3[%get3A_18, %get3A_19, %get3A_20, %get3A_21] : memref<2x1x1024x1024xbf16, #tpu.memory_space<vmem>>, vector<1x1x1024x1024xbf16>
    %get3A_23 = vector.shape_cast %get3A_22 : vector<1x1x1024x1024xbf16> to vector<1024x1024xbf16>
    %dot_general3A_24 = arith.constant dense<0.000000e+00> : vector<1024x1024xf32>
    %dot_general3A_25 = tpu.matmul %get3A_17, %get3A_23, %dot_general3A_24 {dimension_numbers = #tpu.dot_dimension_numbers<[1], [0], [0], [1], [0, 0, 1, 1], [], []>, transpose_lhs_hint = false} : vector<1024x1024xbf16>, vector<1024x1024xbf16>, vector<1024x1024xf32> -> vector<1024x1024xf32>
    %add3A = arith.addf %dot_general3A_11, %dot_general3A_25 : vector<1024x1024xf32>
    %mul3A = arith.constant 1024 : i32
    %mul3A_26 = arith.muli %arg0, %mul3A : i32
    %get3A_27 = arith.constant 0 : index
    %get3A_28 = arith.index_cast %mul3A_26 : i32 to index
    %get3A_29 = vector.load %arg5[%get3A_27, %get3A_28] : memref<2x2048xf32, #tpu.memory_space<vmem>>, vector<1x1024xf32>
    %get3A_30 = vector.shape_cast %get3A_29 : vector<1x1024xf32> to vector<1024xf32>
    %mul3A_31 = arith.constant 1024 : i32
    %mul3A_32 = arith.muli %arg0, %mul3A_31 : i32
    %get3A_33 = arith.constant 1 : index
    %get3A_34 = arith.index_cast %mul3A_32 : i32 to index
    %get3A_35 = vector.load %arg5[%get3A_33, %get3A_34] : memref<2x2048xf32, #tpu.memory_space<vmem>>, vector<1x1024xf32>
    %get3A_36 = vector.shape_cast %get3A_35 : vector<1x1024xf32> to vector<1024xf32>
    %add3A_37 = arith.addf %get3A_30, %get3A_36 : vector<1024xf32>
    %mul3A_38 = arith.constant 1024 : i32
    %mul3A_39 = arith.muli %arg1, %mul3A_38 : i32
    %get3A_40 = arith.constant 0 : index
    %get3A_41 = arith.index_cast %mul3A_39 : i32 to index
    %get3A_42 = vector.load %arg5[%get3A_40, %get3A_41] : memref<2x2048xf32, #tpu.memory_space<vmem>>, vector<1x1024xf32>
    %get3A_43 = vector.shape_cast %get3A_42 : vector<1x1024xf32> to vector<1024xf32>
    %mul3A_44 = arith.constant 1024 : i32
    %mul3A_45 = arith.muli %arg1, %mul3A_44 : i32
    %get3A_46 = arith.constant 1 : index
    %get3A_47 = arith.index_cast %mul3A_45 : i32 to index
    %get3A_48 = vector.load %arg5[%get3A_46, %get3A_47] : memref<2x2048xf32, #tpu.memory_space<vmem>>, vector<1x1024xf32>
    %get3A_49 = vector.shape_cast %get3A_48 : vector<1x1024xf32> to vector<1024xf32>
    %add3A_50 = arith.addf %get3A_43, %get3A_49 : vector<1024xf32>
    %gt3A = arith.constant 0.000000e+00 : f32
    %gt3A_51 = vector.broadcast %gt3A : f32 to vector<1024xf32>
    %gt3A_52 = arith.cmpf ogt, %add3A_37, %gt3A_51 : vector<1024xf32>
    %rsqrt3A = math.rsqrt %add3A_37 : vector<1024xf32>
    %jit3A = arith.constant 0.000000e+00 : f32
    %broadcast_in_dim3A = vector.broadcast %jit3A : f32 to vector<1024xf32>
    %select_n3A = arith.select %gt3A_52, %rsqrt3A, %broadcast_in_dim3A : vector<1024xi1>, vector<1024xf32>
    %sqrt3A = math.sqrt %add3A_50 : vector<1024xf32>
    %mul3A_53 = arith.constant 1024 : i32
    %mul3A_54 = arith.muli %arg0, %mul3A_53 : i32
    %iota3A = tpu.iota {dimensions = array<i32: 0>} : vector<1024x1024xi32>
    %add3A_55 = vector.broadcast %mul3A_54 : i32 to vector<1024x1024xi32>
    %add3A_56 = arith.addi %add3A_55, %iota3A : vector<1024x1024xi32>
    %mul3A_57 = arith.constant 1024 : i32
    %mul3A_58 = arith.muli %arg1, %mul3A_57 : i32
    %iota3A_59 = tpu.iota {dimensions = array<i32: 1>} : vector<1024x1024xi32>
    %add3A_60 = vector.broadcast %mul3A_58 : i32 to vector<1024x1024xi32>
    %add3A_61 = arith.addi %add3A_60, %iota3A_59 : vector<1024x1024xi32>
    %eq3A = arith.cmpi eq, %add3A_56, %add3A_61 : vector<1024x1024xi32>
    %convert_element_type3A = arith.extui %eq3A : vector<1024x1024xi1> to vector<1024x1024xi32>
    %convert_element_type3A_62 = arith.sitofp %convert_element_type3A : vector<1024x1024xi32> to vector<1024x1024xf32>
    %broadcast_in_dim3A_63 = vector.shape_cast %select_n3A : vector<1024xf32> to vector<1024x1xf32>
    %broadcast_in_dim3A_64 = vector.shape_cast %sqrt3A : vector<1024xf32> to vector<1x1024xf32>
    %mul3A_65 = vector.broadcast %broadcast_in_dim3A_63 : vector<1024x1xf32> to vector<1024x1024xf32>
    %mul3A_66 = vector.broadcast %broadcast_in_dim3A_64 : vector<1x1024xf32> to vector<1024x1024xf32>
    %mul3A_67 = arith.mulf %mul3A_65, %mul3A_66 : vector<1024x1024xf32>
    %mul3A_68 = arith.constant 0.265152216 : f32
    %mul3A_69 = vector.broadcast %mul3A_68 : f32 to vector<1024x1024xf32>
    %mul3A_70 = arith.mulf %mul3A_69, %add3A : vector<1024x1024xf32>
    %get3A_71 = arith.constant 0 : index
    %get3A_72 = arith.constant 0 : index
    %get3A_73 = arith.constant 0 : index
    %get3A_74 = arith.constant 0 : index
    %get3A_75 = vector.load %arg4[%get3A_71, %get3A_72, %get3A_73, %get3A_74] : memref<1x1x1024x1024xbf16, #tpu.memory_space<vmem>>, vector<1x1x1024x1024xbf16>
    %get3A_76 = vector.shape_cast %get3A_75 : vector<1x1x1024x1024xbf16> to vector<1024x1024xbf16>
    %convert_element_type3A_77 = arith.extf %get3A_76 : vector<1024x1024xbf16> to vector<1024x1024xf32>
    %mul3A_78 = arith.constant -0.340499282 : f32
    %mul3A_79 = vector.broadcast %mul3A_78 : f32 to vector<1024x1024xf32>
    %mul3A_80 = arith.mulf %mul3A_79, %convert_element_type3A_77 : vector<1024x1024xf32>
    %sub3A = arith.subf %mul3A_70, %mul3A_80 : vector<1024x1024xf32>
    %mul3A_81 = arith.mulf %mul3A_67, %sub3A : vector<1024x1024xf32>
    %mul3A_82 = arith.constant 8.208500e-02 : f32
    %mul3A_83 = vector.broadcast %mul3A_82 : f32 to vector<1024x1024xf32>
    %mul3A_84 = arith.mulf %mul3A_83, %convert_element_type3A_62 : vector<1024x1024xf32>
    %add3A_85 = arith.addf %mul3A_81, %mul3A_84 : vector<1024x1024xf32>
    %mul3A_86 = arith.constant 45.2548332 : f32
    %mul3A_87 = vector.broadcast %mul3A_86 : f32 to vector<1024x1024xf32>
    %mul3A_88 = arith.mulf %mul3A_87, %add3A_85 : vector<1024x1024xf32>
    %swap3A = arith.constant 0 : index
    %swap3A_89 = arith.constant 0 : index
    %swap3A_90 = vector.load %arg6[%swap3A, %swap3A_89] : memref<1024x1024xf32, #tpu.memory_space<vmem>>, vector<1024x1024xf32>
    tpu.vector_store %arg6[%swap3A, %swap3A_89], %mul3A_88 {strides = array<i32>} : memref<1024x1024xf32, #tpu.memory_space<vmem>>, vector<1024x1024xf32>,
    return
  }
  func.func @transform_0(%arg0: i32, %arg1: i32) -> (i32, i32, i32, i32) {
    %jit3A = arith.constant 1 : i32
    %div3A = arith.divsi %arg0, %jit3A : i32
    %sign3A = arith.constant 0 : i32
    %sign3A_0 = arith.cmpi sgt, %arg0, %sign3A : i32
    %sign3A_1 = arith.extui %sign3A_0 : i1 to i32
    %sign3A_2 = arith.constant 0 : i32
    %sign3A_3 = arith.cmpi slt, %arg0, %sign3A_2 : i32
    %sign3A_4 = arith.extui %sign3A_3 : i1 to i32
    %sign3A_5 = arith.subi %sign3A_1, %sign3A_4 : i32
    %sign3A_6 = arith.constant 0 : i32
    %sign3A_7 = arith.cmpi sgt, %jit3A, %sign3A_6 : i32
    %sign3A_8 = arith.extui %sign3A_7 : i1 to i32
    %sign3A_9 = arith.constant 0 : i32
    %sign3A_10 = arith.cmpi slt, %jit3A, %sign3A_9 : i32
    %sign3A_11 = arith.extui %sign3A_10 : i1 to i32
    %sign3A_12 = arith.subi %sign3A_8, %sign3A_11 : i32
    %ne3A = arith.cmpi ne, %sign3A_5, %sign3A_12 : i32
    %rem3A = arith.remsi %arg0, %jit3A : i32
    %ne3A_13 = arith.constant 0 : i32
    %ne3A_14 = arith.cmpi ne, %rem3A, %ne3A_13 : i32
    %and3A = arith.andi %ne3A, %ne3A_14 : i1
    %sub3A = arith.constant 1 : i32
    %sub3A_15 = arith.subi %div3A, %sub3A : i32
    %select_n3A = arith.select %and3A, %sub3A_15, %div3A : i32
    %jit3A_16 = arith.constant 1 : i32
    %eq3A = arith.constant 0 : i32
    %eq3A_17 = arith.cmpi eq, %jit3A_16, %eq3A : i32
    %jit3A_18 = arith.constant 1 : i32
    %select_n3A_19 = arith.select %eq3A_17, %jit3A_18, %jit3A_16 : i32
    %rem3A_20 = arith.remsi %arg0, %select_n3A_19 : i32
    %ne3A_21 = arith.constant 0 : i32
    %ne3A_22 = arith.cmpi ne, %rem3A_20, %ne3A_21 : i32
    %lt3A = arith.constant 0 : i32
    %lt3A_23 = arith.cmpi slt, %rem3A_20, %lt3A : i32
    %lt3A_24 = arith.constant 0 : i32
    %lt3A_25 = arith.cmpi slt, %select_n3A_19, %lt3A_24 : i32
    %ne3A_26 = arith.xori %lt3A_23, %lt3A_25 : i1
    %and3A_27 = arith.andi %ne3A_26, %ne3A_22 : i1
    %add3A = arith.addi %rem3A_20, %select_n3A_19 : i32
    %select_n3A_28 = arith.select %and3A_27, %add3A, %rem3A_20 : i32
    %c0_i32 = arith.constant 0 : i32
    %c0_i32_29 = arith.constant 0 : i32
    %c0_i32_30 = arith.constant 0 : i32
    return %select_n3A, %c0_i32, %select_n3A_28, %c0_i32_29 : i32, i32, i32, i32
  }
  func.func @transform_1(%arg0: i32, %arg1: i32) -> (i32, i32, i32, i32) {
    %jit3A = arith.constant 1 : i32
    %div3A = arith.divsi %arg1, %jit3A : i32
    %sign3A = arith.constant 0 : i32
    %sign3A_0 = arith.cmpi sgt, %arg1, %sign3A : i32
    %sign3A_1 = arith.extui %sign3A_0 : i1 to i32
    %sign3A_2 = arith.constant 0 : i32
    %sign3A_3 = arith.cmpi slt, %arg1, %sign3A_2 : i32
    %sign3A_4 = arith.extui %sign3A_3 : i1 to i32
    %sign3A_5 = arith.subi %sign3A_1, %sign3A_4 : i32
    %sign3A_6 = arith.constant 0 : i32
    %sign3A_7 = arith.cmpi sgt, %jit3A, %sign3A_6 : i32
    %sign3A_8 = arith.extui %sign3A_7 : i1 to i32
    %sign3A_9 = arith.constant 0 : i32
    %sign3A_10 = arith.cmpi slt, %jit3A, %sign3A_9 : i32
    %sign3A_11 = arith.extui %sign3A_10 : i1 to i32
    %sign3A_12 = arith.subi %sign3A_8, %sign3A_11 : i32
    %ne3A = arith.cmpi ne, %sign3A_5, %sign3A_12 : i32
    %rem3A = arith.remsi %arg1, %jit3A : i32
    %ne3A_13 = arith.constant 0 : i32
    %ne3A_14 = arith.cmpi ne, %rem3A, %ne3A_13 : i32
    %and3A = arith.andi %ne3A, %ne3A_14 : i1
    %sub3A = arith.constant 1 : i32
    %sub3A_15 = arith.subi %div3A, %sub3A : i32
    %select_n3A = arith.select %and3A, %sub3A_15, %div3A : i32
    %jit3A_16 = arith.constant 1 : i32
    %eq3A = arith.constant 0 : i32
    %eq3A_17 = arith.cmpi eq, %jit3A_16, %eq3A : i32
    %jit3A_18 = arith.constant 1 : i32
    %select_n3A_19 = arith.select %eq3A_17, %jit3A_18, %jit3A_16 : i32
    %rem3A_20 = arith.remsi %arg1, %select_n3A_19 : i32
    %ne3A_21 = arith.constant 0 : i32
    %ne3A_22 = arith.cmpi ne, %rem3A_20, %ne3A_21 : i32
    %lt3A = arith.constant 0 : i32
    %lt3A_23 = arith.cmpi slt, %rem3A_20, %lt3A : i32
    %lt3A_24 = arith.constant 0 : i32
    %lt3A_25 = arith.cmpi slt, %select_n3A_19, %lt3A_24 : i32
    %ne3A_26 = arith.xori %lt3A_23, %lt3A_25 : i1
    %and3A_27 = arith.andi %ne3A_26, %ne3A_22 : i1
    %add3A = arith.addi %rem3A_20, %select_n3A_19 : i32
    %select_n3A_28 = arith.select %and3A_27, %add3A, %rem3A_20 : i32
    %c0_i32 = arith.constant 0 : i32
    %c0_i32_29 = arith.constant 0 : i32
    %c0_i32_30 = arith.constant 0 : i32
    return %c0_i32, %select_n3A, %c0_i32_29, %select_n3A_28 : i32, i32, i32, i32
  }
  func.func @transform_2(%arg0: i32, %arg1: i32) -> (i32, i32, i32, i32) {
    %jit3A = arith.constant 1 : i32
    %div3A = arith.divsi %arg0, %jit3A : i32
    %sign3A = arith.constant 0 : i32
    %sign3A_0 = arith.cmpi sgt, %arg0, %sign3A : i32
    %sign3A_1 = arith.extui %sign3A_0 : i1 to i32
    %sign3A_2 = arith.constant 0 : i32
    %sign3A_3 = arith.cmpi slt, %arg0, %sign3A_2 : i32
    %sign3A_4 = arith.extui %sign3A_3 : i1 to i32
    %sign3A_5 = arith.subi %sign3A_1, %sign3A_4 : i32
    %sign3A_6 = arith.constant 0 : i32
    %sign3A_7 = arith.cmpi sgt, %jit3A, %sign3A_6 : i32
    %sign3A_8 = arith.extui %sign3A_7 : i1 to i32
    %sign3A_9 = arith.constant 0 : i32
    %sign3A_10 = arith.cmpi slt, %jit3A, %sign3A_9 : i32
    %sign3A_11 = arith.extui %sign3A_10 : i1 to i32
    %sign3A_12 = arith.subi %sign3A_8, %sign3A_11 : i32
    %ne3A = arith.cmpi ne, %sign3A_5, %sign3A_12 : i32
    %rem3A = arith.remsi %arg0, %jit3A : i32
    %ne3A_13 = arith.constant 0 : i32
    %ne3A_14 = arith.cmpi ne, %rem3A, %ne3A_13 : i32
    %and3A = arith.andi %ne3A, %ne3A_14 : i1
    %sub3A = arith.constant 1 : i32
    %sub3A_15 = arith.subi %div3A, %sub3A : i32
    %select_n3A = arith.select %and3A, %sub3A_15, %div3A : i32
    %jit3A_16 = arith.constant 1 : i32
    %div3A_17 = arith.divsi %arg1, %jit3A_16 : i32
    %sign3A_18 = arith.constant 0 : i32
    %sign3A_19 = arith.cmpi sgt, %arg1, %sign3A_18 : i32
    %sign3A_20 = arith.extui %sign3A_19 : i1 to i32
    %sign3A_21 = arith.constant 0 : i32
    %sign3A_22 = arith.cmpi slt, %arg1, %sign3A_21 : i32
    %sign3A_23 = arith.extui %sign3A_22 : i1 to i32
    %sign3A_24 = arith.subi %sign3A_20, %sign3A_23 : i32
    %sign3A_25 = arith.constant 0 : i32
    %sign3A_26 = arith.cmpi sgt, %jit3A_16, %sign3A_25 : i32
    %sign3A_27 = arith.extui %sign3A_26 : i1 to i32
    %sign3A_28 = arith.constant 0 : i32
    %sign3A_29 = arith.cmpi slt, %jit3A_16, %sign3A_28 : i32
    %sign3A_30 = arith.extui %sign3A_29 : i1 to i32
    %sign3A_31 = arith.subi %sign3A_27, %sign3A_30 : i32
    %ne3A_32 = arith.cmpi ne, %sign3A_24, %sign3A_31 : i32
    %rem3A_33 = arith.remsi %arg1, %jit3A_16 : i32
    %ne3A_34 = arith.constant 0 : i32
    %ne3A_35 = arith.cmpi ne, %rem3A_33, %ne3A_34 : i32
    %and3A_36 = arith.andi %ne3A_32, %ne3A_35 : i1
    %sub3A_37 = arith.constant 1 : i32
    %sub3A_38 = arith.subi %div3A_17, %sub3A_37 : i32
    %select_n3A_39 = arith.select %and3A_36, %sub3A_38, %div3A_17 : i32
    %jit3A_40 = arith.constant 1 : i32
    %eq3A = arith.constant 0 : i32
    %eq3A_41 = arith.cmpi eq, %jit3A_40, %eq3A : i32
    %jit3A_42 = arith.constant 1 : i32
    %select_n3A_43 = arith.select %eq3A_41, %jit3A_42, %jit3A_40 : i32
    %rem3A_44 = arith.remsi %arg0, %select_n3A_43 : i32
    %ne3A_45 = arith.constant 0 : i32
    %ne3A_46 = arith.cmpi ne, %rem3A_44, %ne3A_45 : i32
    %lt3A = arith.constant 0 : i32
    %lt3A_47 = arith.cmpi slt, %rem3A_44, %lt3A : i32
    %lt3A_48 = arith.constant 0 : i32
    %lt3A_49 = arith.cmpi slt, %select_n3A_43, %lt3A_48 : i32
    %ne3A_50 = arith.xori %lt3A_47, %lt3A_49 : i1
    %and3A_51 = arith.andi %ne3A_50, %ne3A_46 : i1
    %add3A = arith.addi %rem3A_44, %select_n3A_43 : i32
    %select_n3A_52 = arith.select %and3A_51, %add3A, %rem3A_44 : i32
    %jit3A_53 = arith.constant 1 : i32
    %eq3A_54 = arith.constant 0 : i32
    %eq3A_55 = arith.cmpi eq, %jit3A_53, %eq3A_54 : i32
    %jit3A_56 = arith.constant 1 : i32
    %select_n3A_57 = arith.select %eq3A_55, %jit3A_56, %jit3A_53 : i32
    %rem3A_58 = arith.remsi %arg1, %select_n3A_57 : i32
    %ne3A_59 = arith.constant 0 : i32
    %ne3A_60 = arith.cmpi ne, %rem3A_58, %ne3A_59 : i32
    %lt3A_61 = arith.constant 0 : i32
    %lt3A_62 = arith.cmpi slt, %rem3A_58, %lt3A_61 : i32
    %lt3A_63 = arith.constant 0 : i32
    %lt3A_64 = arith.cmpi slt, %select_n3A_57, %lt3A_63 : i32
    %ne3A_65 = arith.xori %lt3A_62, %lt3A_64 : i1
    %and3A_66 = arith.andi %ne3A_65, %ne3A_60 : i1
    %add3A_67 = arith.addi %rem3A_58, %select_n3A_57 : i32
    %select_n3A_68 = arith.select %and3A_66, %add3A_67, %rem3A_58 : i32
    %c0_i32 = arith.constant 0 : i32
    return %select_n3A, %select_n3A_39, %select_n3A_52, %select_n3A_68 : i32, i32, i32, i32
  }
  func.func @transform_3(%arg0: i32, %arg1: i32) -> (i32, i32) {
    %c0_i32 = arith.constant 0 : i32
    %c0_i32_0 = arith.constant 0 : i32
    %c0_i32_1 = arith.constant 0 : i32
    return %c0_i32, %c0_i32_0 : i32, i32
  }
  func.func @transform_4(%arg0: i32, %arg1: i32) -> (i32, i32) {
    %c0_i32 = arith.constant 0 : i32
    return %arg0, %arg1 : i32, i32
  }
}

</mosaic_0001>

<sc_bundles>
// kernel: kernel.5.cloned.1.call-start
scs
__scs_entry_jumppad:
0x0: {  	(pc) =	sbr.rel $0x88, $3  }
0x1: {  	(tag) =	ssettag $0x0;
	lr =	simm.s32 $0x1  }
0x2: {  	[smem:$0x3F9F] =	sst lr;
	_ =	strace $0xD0000000  }
0x3: {  	_ = 	snop  }
0x4: {  	_ = 	snop  }
0x5: {  	_ = 	snop  }
0x6: {  	_ = 	snop  }
0x7: {  	_ = 	snop  }
__scs_overlays_trampoline_lowered:
0x8: {  	[smem:$0x3FAE] =	sst s0  }
0x9: {  	[smem:$0x3FAF] =	sst s1  }
0xa: {  	[smem:$0x3FB0] =	sst s2  }
0xb: {  	[smem:$0x3FB1] =	sst s3  }
0xc: {  	[smem:$0x3FB2] =	sst s4  }
0xd: {  	[smem:$0x3FB3] =	sst s5  }
0xe: {  	[smem:$0x3FB4] =	sst s6  }
0xf: {  	[smem:$0x3FB5] =	sst s7  }
0x10: {  	[smem:$0x3FB6] =	sst s8  }
0x11: {  	[smem:$0x3FB7] =	sst s9;
	s0 =	simm.s32 @!p0 $0x0  }
0x12: {  	s1 =	sld [smem:$0x3F9D];
	s0 =	simm.s32 @p0 $0x1  }
0x13: {  	[smem:$0x3FB8] =	sst s0;
	s0 =	simm.s32 @!p1 $0x0  }
0x14: {  	s2 =	sld [smem:$0x3F9C];
	s0 =	simm.s32 @p1 $0x1  }
0x15: {  	[smem:$0x3FB9] =	sst s0;
	s0 =	simm.s32 @!p2 $0x0  }
0x16: {  	s3 =	sld [smem:$0x3FDB];
	s0 =	simm.s32 @p2 $0x1  }
0x17: {  	s4 =	simm.s32 $0x1BF5;
	[smem:$0x3FBB] =	sst s0  }
0x18: {  	s0 =	sld [smem:$0x3F9E];
	_ =	swait.ge [sflag:s4], $0x0  }
0x19: {  	s7 =	sld [smem:$0x3F9F]  }
0x1a: {  	s8 =	sadd.s32 $0xFFFFE003, lr  }
0x1b: {  	s9 =	sadd.s32 $0xFFFFFEF7, lr;
	s5 =	simm.s32 $0xFFFFFFFF;
	p2 =	slt.u32 s8, $0xFFFFF086  }
0x1c: {  	p1 =	slt.u32 s9, $0xF7A;
	s5 =	simm.s32 @!p2 $0x0  }
0x1d: {  	s5 =	simm.s32 @p1 $0x1;
	p0 =	seq.s32 s7, s2  }
0x1e: {  	s7 =	smul.u32 @!p0 $0xF7A, s2;
	p2 =	seq.s32 @!p0 s5, $0x0  }
0x1f: {  	s9 =	smul.u32 $0xF7A, s1;
	s8 =	simm.s32 @!p0 $0x1BF5;
	p2 =	por !p2, p0  }
0x20: {  	[sflag:s8] =	ssyncset.s32 @!p0 $0xFFFFF086;
	s6 =	sadd.s32 @!p0 s3, s7;
	s7 =	simm.s32 @!p0 $0x108  }
0x21: {  	s3 =	sadd.s32 s3, s9;
	s6 =	sadd.s32 @!p0 $0x88, s6;
	s7 =	simm.s32 @p2 $0x1082  }
0x22: {  	[simem:s7], [sflag:s8] =	dma.local @!p0 [hbm:s6], $0xF7A  }
0x23: {  	s9 =	sor.u32 $0xD0000000, s2;
	s6 =	simm.s32 $0x108;
	_ =	swait.ge @!p0 [sflag:s8], $0x0  }
0x24: {  	s3 =	sadd.s32 $0x88, s3;
	s6 =	simm.s32 @!p1 $0x1082;
	[sflag:s4] =	ssyncset.s32 $0xFFFFF086  }
0x25: {  	[simem:s6], [sflag:s4] =	dma.local [hbm:s3], $0xF7A  }
0x26: {  	[smem:$0x3F9F] =	sst s1;
	(tag) =	ssettag s2;
	_ =	strace s9  }
0x27: {  	s1 =	sld [smem:$0x3FAF]  }
0x28: {  	s2 =	sld [smem:$0x3FB0]  }
0x29: {  	s4 =	sld [smem:$0x3FB2]  }
0x2a: {  	p0 =	seq.s32 s5, $0x0;
	s5 =	sld [smem:$0x3FB3]  }
0x2b: {  	s6 =	sld [smem:$0x3FB4]  }
0x2c: {  	s7 =	sld [smem:$0x3FB5]  }
0x2d: {  	s3 =	simm.s32 $0x108;
	s8 =	sld [smem:$0x3FB6]  }
0x2e: {  	s3 =	simm.s32 @!p0 $0x1082;
	s9 =	sld [smem:$0x3FB7]  }
0x2f: {  	lr =	sadd.s32 s0, s3;
	s0 =	sld [smem:$0x3FAE]  }
0x30: {  	s3 =	sld [smem:$0x3FB1]  }
0x31: {  	[smem:$0x3FBA] =	sst s10  }
0x32: {  	s10 =	sld [smem:$0x3FB8];
	_ =	sdelay $0x3  }
0x33: {  	p0 =	seq.s32 s10, $0x1;
	s10 =	sld [smem:$0x3FBA];
	_ =	sdelay $0x3  }
0x34: {  	[smem:$0x3FBA] =	sst s10  }
0x35: {  	s10 =	sld [smem:$0x3FB9];
	_ =	sdelay $0x3  }
0x36: {  	p1 =	seq.s32 s10, $0x1;
	s10 =	sld [smem:$0x3FBA];
	_ =	sdelay $0x3  }
0x37: {  	[smem:$0x3FBA] =	sst s10  }
0x38: {  	s10 =	sld [smem:$0x3FBB]  }
0x39: {  	_ = 	snop;
	(pc) =	sbr.ind lr, $3  }
0x3a: {  	_ = 	snop  }
0x3b: {  	_ = 	snop  }
0x3c: {  	p2 =	seq.s32 s10, $0x1;
	s10 =	sld [smem:$0x3FBA]  }
0x3d: {  	_ =	shalt  }
0x3e: {  	_ =	shalt  }
0x3f: {  	_ =	shalt  }
0x40: {  	_ =	shalt  }
0x41: {  	_ =	shalt  }
0x42: {  	_ =	shalt  }
0x43: {  	_ =	shalt  }
0x44: {  	_ =	shalt  }
0x45: {  	_ =	shalt  }
0x46: {  	_ =	shalt  }
0x47: {  	_ =	shalt  }
0x48: {  	_ =	shalt  }
0x49: {  	_ =	shalt  }
0x4a: {  	_ =	shalt  }
0x4b: {  	_ =	shalt  }
0x4c: {  	_ =	shalt  }
0x4d: {  	_ =	shalt  }
0x4e: {  	_ =	shalt  }
0x4f: {  	_ =	shalt  }
0x50: {  	_ =	shalt  }
0x51: {  	_ =	shalt  }
0x52: {  	_ =	shalt  }
0x53: {  	_ =	shalt  }
0x54: {  	_ =	shalt  }
0x55: {  	_ =	shalt  }
0x56: {  	_ =	shalt  }
0x57: {  	_ =	shalt  }
0x58: {  	_ =	shalt  }
0x59: {  	_ =	shalt  }
0x5a: {  	_ =	shalt  }
0x5b: {  	_ =	shalt  }
0x5c: {  	_ =	shalt  }
0x5d: {  	_ =	shalt  }
0x5e: {  	_ =	shalt  }
0x5f: {  	_ =	shalt  }
0x60: {  	_ =	shalt  }
0x61: {  	_ =	shalt  }
0x62: {  	_ =	shalt  }
0x63: {  	_ =	shalt  }
0x64: {  	_ =	shalt  }
0x65: {  	_ =	shalt  }
0x66: {  	_ =	shalt  }
0x67: {  	_ =	shalt  }
0x68: {  	_ =	shalt  }
0x69: {  	_ =	shalt  }
0x6a: {  	_ =	shalt  }
0x6b: {  	_ =	shalt  }
0x6c: {  	_ =	shalt  }
0x6d: {  	_ =	shalt  }
0x6e: {  	_ =	shalt  }
0x6f: {  	_ =	shalt  }
0x70: {  	_ =	shalt  }
0x71: {  	_ =	shalt  }
0x72: {  	_ =	shalt  }
0x73: {  	_ =	shalt  }
0x74: {  	_ =	shalt  }
0x75: {  	_ =	shalt  }
0x76: {  	_ =	shalt  }
0x77: {  	_ =	shalt  }
0x78: {  	_ =	shalt  }
0x79: {  	_ =	shalt  }
0x7a: {  	_ =	shalt  }
0x7b: {  	_ =	shalt  }
0x7c: {  	_ =	shalt  }
0x7d: {  	_ =	shalt  }
0x7e: {  	_ =	shalt  }
0x7f: {  	_ =	shalt  }
0x80: {  	_ =	shalt  }
0x81: {  	_ =	shalt  }
0x82: {  	_ =	shalt  }
0x83: {  	_ =	shalt  }
0x84: {  	_ =	shalt  }
0x85: {  	_ =	shalt  }
0x86: {  	_ =	shalt  }
0x87: {  	_ =	shalt  }
.Lfunc_end0:
.L_simem_size_0:
called_computation_lowered:
.L_overlay_start_0:
0x88: {  	s2 =	sld [smem:$0x3FD9]  }
0x89: {  	s3 =	sld [smem:$0x3FFE];
	_ =	sdelay $0x1  }
0x8a: {  	s1 =	srdreg.scid  }
0x8b: {  	s0 =	sand.u32 $0x1, s1  }
0x8c: {  	s17 =	sshll.u32 s0, $0xA;
	s2 =	sadd.s32 s3, s2  }
0x8d: {  	s2 =	sadd.s32 s2, s17  }
0x8e: {  	[smem:$0x3FC6] =	sst s2  }
0x8f: {  	_ = 	snop  }
0x90: {  	s2 =	sld [smem:$0x3FC9]  }
0x91: {  	s18 =	sld [smem:$0x3FC8]  }
0x92: {  	s4 =	sld [smem:$0x3FD0];
	(tm) =	ssettm $0x1  }
0x93: {  	s5 =	sld [smem:$0x3FFB];
	_ =	sdelay $0x3  }
0x94: {  	_ =	strace s5  }
0x95: {  	s5 =	sld [smem:$0x3FFC];
	_ =	sdelay $0x3  }
0x96: {  	_ =	strace s5  }
0x97: {  	s5 =	sld [smem:$0x3FFD];
	_ =	sdelay $0x3  }
0x98: {  	_ =	strace s5  }
0x99: {  	_ =	strace $0x8FFFFFFF  }
0x9a: {  	s19 =	sld [smem:$0x3FDB];
	_ =	sdelay $0x1  }
0x9b: {  	s6 =	simm.s32 $_scs_section_size  }
0x9c: {  	s7 =	simm.s32 $_size__tile_overlayer_lowered;
	s8 =	simm.s32 $_tile_overlayer_lowered  }
0x9d: {  	s22 =	simm.s32 $0x1BFF;
	s21 =	sshll.u32 s8, $0x1;
	s5 =	sadd.s32 s6, s19  }
0x9e: {  	s9 =	simm.s32 $0x0;
	s20 =	sshll.u32 s7, $0x1;
	s7 =	sadd.s32 s21, s5  }
0x9f: {  	[timem:s9], [sflag:s22] =	dma.local [hbm:s7], s20  }
0xa0: {  	_ =	swait.ge [sflag:s22], s20  }
0xa1: {  	s6 =	ssub.s32 $0x0, s20;
	[sflag:s22] =	ssyncset.done $0x0  }
0xa2: {  	[sflag:s22] =	ssyncadd.s32 s6;
	_ =	sdelay $0x1  }
0xa3: {  	s23 =	simm.s32 $0x1B8B  }
0xa4: {  	_ =	swait.ge [sflag:s23], $0x1  }
0xa5: {  	[sflag:s23] =	ssyncset.done $0x0  }
0xa6: {  	s25 =	simm.s32 $0x1B8E;
	s24 =	sld [smem:$0x3FFE];
	[sflag:s23] =	ssyncadd.s32 $0xFFFFFFFF  }
0xa7: {  	s26 =	simm.s32 $execute0_lowered;
	[smem:$0x3FD2] =	sst s25  }
0xa8: {  	s7 =	sshll.u32 s26, $0x1;
	_ =	strace $0x80000046;
	[dreg:$0x1] =	wrdreg $0xFFFFFFFF  }
0xa9: {  	s28 =	simm.s32 $_size_execute0_lowered;
	s5 =	sadd.s32 s5, s7;
	[dreg:$0x0] =	wrdreg $0x0  }
0xaa: {  	s7 =	sshll.u32 s28, $0x1;
	[dreg:$0x2] =	wrdreg s5  }
0xab: {  	[dreg:$0x3] =	wrdreg s7  }
0xac: {  	[dreg:$0x4] =	wrdreg $0xC0  }
0xad: {  	_ =	task [dreg:s9], $0x5FFFF  }
0xae: {  	[dreg:$0x1] =	wrdreg $0xFFFFFFFF  }
0xaf: {  	[dreg:$0x0] =	wrdreg $0x60  }
0xb0: {  	[dreg:$0x2] =	wrdreg s2  }
0xb1: {  	[dreg:$0x3] =	wrdreg s18  }
0xb2: {  	[dreg:$0x4] =	wrdreg s24  }
0xb3: {  	[dreg:$0x5] =	wrdreg s4  }
0xb4: {  	[dreg:$0x6] =	wrdreg $0x168000  }
0xb5: {  	[dreg:$0x7] =	wrdreg $0x68000  }
0xb6: {  	[dreg:$0x8] =	wrdreg $0x9  }
0xb7: {  	_ =	task.clear_ibuf [dreg:s9], $0x9FFFF;
	_ =	strace $0x90000046  }
0xb8: {  	s29 =	simm.s32 $0x9;
	_ =	strace $0x80000048  }
0xb9: {  	_ =	swait.ge [sflag:s29], $0x1  }
0xba: {  	[sflag:s29] =	ssyncadd.s32 $0xFFFFFFFF  }
0xbb: {  	_ =	strace $0x90000048  }
0xbc: {  	_ =	sfence  }
0xbd: {  	s30 =	sld [smem:$0x0];
	_ =	sdelay $0x2  }
0xbe: {  	s31 =	sshll.u32 s1, $0xD;
	s1 =	sshrl.u32 s1, $0x2  }
0xbf: {  	s3 =	sand.u32 $0x4000, s31;
	s1 =	sadd.s32 s1, s30  }
0xc0: {  	s0 =	sor.u32 s3, s0;
	s1 =	sshll.u32 s1, $0x11  }
0xc1: {  	s0 =	sor.u32 s1, s0  }
0xc2: {  	s0 =	sadd.s32 $0x8F2B, s0  }
0xc3: {  	[sflag:s0] =	ssyncadd.remote.s32 $0x1  }
0xc4: {  	_ =	sfence.sel $0xFFFF  }
0xc5: {  	[dreg:$0x0] =	wrdreg $0xFFFFFFFF;
	(pc) =	sbr.abs _section_cstart, $3  }
0xc6: {  	[dreg:$0x1] =	wrdreg $0xFFFFFFFF  }
0xc7: {  	_ =	task.clear_ibuf [dreg:s9], $0x2FFFF;
	_ =	strace $0x9FFFFFFF  }
0xc8: {  	(tm) =	ssettm $0x7FFFFFFF  }
0xc9: {  	_ =	shalt  }
tec
execute0_lowered:
.L_overlay_start_1:
0x0: {  	(tag) =	ssettag $0x1  }
0x1: {  	s0 =	rddreg [dreg:$0x0]  }
0x2: {  	s3 =	rddreg [dreg:$0x1]  }
0x3: {  	s5 =	rddreg [dreg:$0x2]  }
0x4: {  	s6 =	rddreg [dreg:$0x3]  }
0x5: {  	s1 =	rddreg [dreg:$0x4]  }
0x6: {  	s2 =	rddreg [dreg:$0x5]  }
0x7: {  	s4 =	simm.s32 $0x0;
	s7 =	srdreg.scid;
	s17 =	stileid.u32  }
0x8: {  	s15 =	simm.s32 $0x4;
	[smem:$0x7FF] =	sst s4;
	s4 =	sadd.s32 $0xA00, s5  }
0x9: {  	s16 =	sand.u32 $0x1, s7;
	s9 =	sshll.u32 s17, $0x9;
	s25 =	sshll.u32 s17, $0xD  }
0xa: {  	s10 =	sshll.u32 s17, $0x4;
	s12 =	sshll.u32 s17, $0x8;
	s29 =	sshll.u32 s17, $0x10  }
0xb: {  	s31 =	sshll.u32 s17, $0x6;
	p0 =	sne.s32 s17, $0x0;
	_ =	strace $0x80000047  }
0xc: {  	s7 =	sshll.u32 s16, $0x4;
	s8 =	ssub.s32 $0x2, s16;
	s26 =	sshll.u32 s16, $0x11  }
0xd: {  	s13 =	sand.u32 $0x70, s10;
	s3 =	sadd.s32 s3, s12;
	s28 =	sshrl.u32 s9, $0x2  }
0xe: {  	s30 =	sadd.s32 s29, s2;
	s18 =	sor.u32 $0x1C04, s31;
	s20 =	sor.u32 $0x1C03, s31  }
0xf: {  	s11 =	sadd.s32 s7, s5;
	s22 =	sshrl.u32 s8, $0x1;
	s5 =	sadd.s32 s0, s9  }
0x10: {  	s7 =	sand.u32 $0x10000, s25;
	[dreg:$0x8] =	wrdreg s3;
	s3 =	sadd.s32 s28, s1  }
0x11: {  	s9 =	sadd.s32 s4, s10;
	s21 =	sshrl.u32 s30, $0x3;
	s25 =	simm.s32 $0x2  }
0x12: {  	s23 =	ssub.s32 s8, s22;
	s24 =	sadd.s32 $0x10, s5;
	s8 =	sor.u32 s26, s7  }
0x13: {  	s11 =	sadd.s32 $0x2A00, s11;
	s19 =	sshrl.u32 s3, $0x3;
	s22 =	simm.s32 $0x3  }
0x14: {  	s26 =	simm.s32 $0x0;
	[dreg:$0x7] =	wrdreg s24;
	s8 =	sor.u32 s13, s8  }
0x15: {  	s12 =	smax.u32 s23, $0x1;
	s13 =	simm.s32 $0x80;
	s8 =	sadd.s32 s6, s8  }
0x16: {  	v0 =	vmov s16;
	s23 =	simm.s32 $0x1;
	s24 =	simm.s32 $0x10;
	s10 =	sadd.s32 $0x40000, s8  }
.LBB2_1:
0x17: {  	s0 =	simm.s32 $0x0;
	s6 =	simm.s32 $0x100  }
0x18: {  	[tilespmem:s0], [sflag:$0x4] =	stream.strided.gather [hbm4b:s5+s13], $0x800, s6, s13, $0x38;
	[tilespmem:$0x16880] =	vst v63  }
0x19: {  	_ =	swait.ge [sflag:s15], $0x800  }
0x1a: {  	[sflag:s15] =	ssyncset.done $0x0  }
0x1b: {  	s7 =	simm.s32 $0x800;
	s3 =	rddreg [dreg:$0x7];
	[sflag:s15] =	ssyncadd.s32 $0xFFFFF800  }
0x1c: {  	[tilespmem:s7], [sflag:$0x4] =	stream.strided.gather [hbm4b:s3+s13], $0x800, s6, s13, $0x38;
	[tilespmem:$0x16880] =	vst v63  }
0x1d: {  	_ =	swait.ge [sflag:s15], $0x800  }
0x1e: {  	[sflag:s15] =	ssyncset.done $0x0  }
0x1f: {  	s17 =	simm.s32 $0x1000;
	s16 =	rddreg [dreg:$0x8];
	[sflag:s15] =	ssyncadd.s32 $0xFFFFF800  }
0x20: {  	[tilespmem:s17], [sflag:$0x4] =	stream.linear.gather [hbm4b:s16+s0], $0x800, $0x38;
	[tilespmem:$0x16880] =	vst v63  }
0x21: {  	_ =	swait.ge [sflag:s15], $0x800  }
0x22: {  	[sflag:s15] =	ssyncset.done $0x0  }
0x23: {  	[sflag:s15] =	ssyncadd.s32 $0xFFFFF800  }
0x24: {  	[spmem:s19], [sflag:s18] =	dma.local [hbm:s9], $0x10  }
0x25: {  	_ =	swait.ge [sflag:s15], $0x10  }
0x26: {  	[sflag:s15] =	ssyncset.done $0x0  }
0x27: {  	[sflag:s15] =	ssyncadd.s32 $0xFFFFFFF0  }
0x28: {  	[spmem:s21], [sflag:s20] =	dma.local [hbm:s4], $0x2000  }
0x29: {  	s29 =	simm.s32 $0x20;
	[bflag:$0x0] =	sbarrier.arrive $0xFFFF  }
0x2a: {  	s30 =	simm.s32 $0x1020;
	v1 =	vld [tilespmem:s29+$0xFFFFFFE0]  }
0x2b: {  	s31 =	simm.s32 $0x820;
	v2 =	vld [tilespmem:s30+$0xFFFFFFE0]  }
0x2c: {  	v3 =	vld [tilespmem:s31+$0xFFFFFFE0];
	_ =	sdelay $0x3  }
0x2d: {  	s28 =	simm.s32 $0x0;
	v4 =	vshrl.u32 v1, $0xA;
	v2 =	vmul.f32 $5.000000000e-01, v2  }
0x2e: {  	v5 =	vand.u32 $0x3FF, v1;
	v6 =	vshrl.u32 v3, $0xA;
	[tilespmem:s28+$0x2800] =	vst v1;
	vm0 =	veq.s32 v4, v0  }
0x2f: {  	v7 =	vand.u32 $0x3FF, v3;
	[tilespmem:s28+$0x2840] =	vst v3;
	v1 =	vshll.u32 v5, $0xA;
	v8 =	vnsel vm0, $0x0, v2  }
0x30: {  	vm1 =	veq.s32 v6, v0;
	v1 =	vor.u32 v7, v1;
	[tilespmem:s28+$0x5840] =	vst v8  }
0x31: {  	vm7 =	veq.s32 v6, $0x0;
	v2 =	vnsel vm1, $0x0, v2;
	[tilespmem:s28+$0x1800] =	vst v1  }
0x32: {  	vm8 =	veq.s32 v4, $0x0;
	v1 =	vnsel vm7, $0x0, v8;
	[tilespmem:s28+$0x5800] =	vst v2  }
0x33: {  	v3 =	vnsel vm8, $0x0, v2;
	[tilespmem:s28+$0x3840] =	vst v1;
	v1 =	vsub.f32 v8, v1  }
0x34: {  	v2 =	vsub.f32 v2, v3;
	[tilespmem:s28+$0x3800] =	vst v3  }
0x35: {  	v3 =	vshll.u32 v7, $0xA;
	[tilespmem:s28+$0x4840] =	vst v1  }
0x36: {  	v1 =	vor.u32 v5, v3;
	[tilespmem:s28+$0x4800] =	vst v2  }
0x37: {  	[tilespmem:s28+$0x1840] =	vst v1  }
0x38: {  	v1 =	vld [tilespmem:s29+$0xFFFFFFF0]  }
0x39: {  	v2 =	vld [tilespmem:s31+$0xFFFFFFF0]  }
0x3a: {  	v3 =	vld [tilespmem:s30+$0xFFFFFFF0];
	_ =	sdelay $0x3  }
0x3b: {  	v53 =	vshrl.u32 v1, $0xA;
	v54 =	vand.u32 $0x3FF, v2  }
0x3c: {  	v55 =	vand.u32 $0x3FF, v1;
	v3 =	vmul.f32 $5.000000000e-01, v3;
	[tilespmem:s28+$0x2810] =	vst v1;
	v1 =	vshll.u32 v54, $0xA  }
0x3d: {  	v56 =	vshrl.u32 v2, $0xA;
	[tilespmem:s28+$0x2850] =	vst v2;
	vm9 =	veq.s32 v53, v0;
	v1 =	vor.u32 v55, v1  }
0x3e: {  	vm11 =	veq.s32 v56, v0;
	v57 =	vnsel vm9, $0x0, v3;
	[tilespmem:s28+$0x1850] =	vst v1  }
0x3f: {  	v2 =	vshll.u32 v55, $0xA;
	vm10 =	veq.s32 v56, $0x0;
	v3 =	vnsel vm11, $0x0, v3;
	[tilespmem:s28+$0x5850] =	vst v57  }
0x40: {  	v1 =	vor.u32 v54, v2;
	v2 =	vnsel vm10, $0x0, v57;
	[tilespmem:s28+$0x5810] =	vst v3  }
0x41: {  	vm12 =	veq.s32 v53, $0x0;
	[tilespmem:s28+$0x1810] =	vst v1;
	v1 =	vsub.f32 v57, v2  }
0x42: {  	v4 =	vnsel vm12, $0x0, v3;
	[tilespmem:s28+$0x3850] =	vst v2  }
0x43: {  	[tilespmem:s28+$0x4850] =	vst v1;
	v1 =	vsub.f32 v3, v4  }
0x44: {  	[tilespmem:s28+$0x3810] =	vst v4  }
0x45: {  	[tilespmem:s28+$0x4810] =	vst v1  }
0x46: {  	v1 =	vld [tilespmem:s29+$0x0]  }
0x47: {  	v2 =	vld [tilespmem:s31+$0x0]  }
0x48: {  	v3 =	vld [tilespmem:s30+$0x0];
	_ =	sdelay $0x3  }
0x49: {  	v58 =	vshrl.u32 v2, $0xA;
	v59 =	vand.u32 $0x3FF, v2  }
0x4a: {  	[tilespmem:s28+$0x2820] =	vst v1;
	v3 =	vmul.f32 $5.000000000e-01, v3;
	v60 =	vand.u32 $0x3FF, v1;
	v61 =	vshll.u32 v59, $0xA  }
0x4b: {  	v1 =	vshrl.u32 v1, $0xA;
	[tilespmem:s28+$0x2860] =	vst v2;
	vm13 =	veq.s32 v58, v0;
	v2 =	vor.u32 v60, v61  }
0x4c: {  	vm14 =	veq.s32 v1, v0;
	vm2 =	veq.s32 v1, $0x0;
	v62 =	vnsel vm13, $0x0, v3;
	[tilespmem:s28+$0x1860] =	vst v2  }
0x4d: {  	vm15 =	veq.s32 v58, $0x0;
	v1 =	vnsel vm14, $0x0, v3;
	v2 =	vnsel vm2, $0x0, v62;
	[tilespmem:s28+$0x5820] =	vst v62  }
0x4e: {  	v3 =	vnsel vm15, $0x0, v1;
	[tilespmem:s28+$0x3820] =	vst v2;
	v2 =	vsub.f32 v62, v2  }
0x4f: {  	v63 =	vsub.f32 v1, v3;
	[tilespmem:s28+$0x3860] =	vst v3  }
0x50: {  	s3 =	simm.s32 $0x20;
	v3 =	vshll.u32 v60, $0xA;
	[tilespmem:s28+$0x4820] =	vst v2  }
0x51: {  	s0 =	simm.s32 $0x200;
	s16 =	simm.s32 $0x1020;
	s17 =	simm.s32 $0x820;
	v2 =	vor.u32 v59, v3;
	[tilespmem:s28+$0x4860] =	vst v63  }
.LBB2_2:
0x52: {  	[tilespmem:s28+$0x5860] =	vst v1;
	s29 =	sadd.s32 $0x40, s29;
	s31 =	sadd.s32 $0x40, s31;
	s30 =	sadd.s32 $0x40, s30  }
0x53: {  	p1 =	sne.s32 s0, $0x3E00;
	s6 =	smov.u32 s0;
	s0 =	sadd.s32 $0x200, s0;
	[tilespmem:s28+$0x1820] =	vst v2  }
0x54: {  	v1 =	vld [tilespmem:s16+$0x10];
	s16 =	smov.u32 s30  }
0x55: {  	v2 =	vld [tilespmem:s17+$0x10];
	s17 =	smov.u32 s31  }
0x56: {  	v3 =	vld [tilespmem:s3+$0x10];
	s3 =	smov.u32 s29;
	_ =	sdelay $0x3  }
0x57: {  	v1 =	vmul.f32 $5.000000000e-01, v1;
	v4 =	vshrl.u32 v2, $0xA;
	v5 =	vand.u32 $0x3FF, v2;
	[tilespmem:s28+$0x2870] =	vst v2  }
0x58: {  	vm0 =	veq.s32 v4, v0;
	v2 =	vshrl.u32 v3, $0xA;
	v6 =	vand.u32 $0x3FF, v3;
	[tilespmem:s28+$0x2830] =	vst v3  }
0x59: {  	v3 =	vnsel vm0, $0x0, v1;
	vm0 =	veq.s32 v2, $0x0;
	vm1 =	veq.s32 v2, v0  }
0x5a: {  	v2 =	vnsel vm0, $0x0, v3;
	[tilespmem:s28+$0x5830] =	vst v3;
	v1 =	vnsel vm1, $0x0, v1;
	vm0 =	veq.s32 v4, $0x0  }
0x5b: {  	v4 =	vshll.u32 v6, $0xA;
	v3 =	vsub.f32 v3, v2;
	v7 =	vnsel vm0, $0x0, v1;
	[tilespmem:s28+$0x5870] =	vst v1  }
0x5c: {  	v4 =	vor.u32 v5, v4;
	v5 =	vshll.u32 v5, $0xA;
	[tilespmem:s28+$0x3870] =	vst v7;
	v1 =	vsub.f32 v1, v7  }
0x5d: {  	[tilespmem:s28+$0x4830] =	vst v3;
	v3 =	vor.u32 v6, v5  }
0x5e: {  	[tilespmem:s28+$0x3830] =	vst v2  }
0x5f: {  	[tilespmem:s28+$0x1870] =	vst v3  }
0x60: {  	s14 =	sadd.s32 $0x2800, s28;
	s7 =	sadd.s32 $0x5800, s28;
	[tilespmem:s28+$0x1830] =	vst v4  }
0x61: {  	[tilespmem:s28+$0x4870] =	vst v1  }
0x62: {  	[spmem:s1] =	stream.indirect.scatter.add.f32 [tilespmem:s7], [sflag:$0x2], $0x1, s14, s13, $0xb8;
	[tilespmem:$0x16880] =	vst v63  }
0x63: {  	_ =	sdelay $0x2  }
0x64: {  	v1 =	vld [tilespmem:s29+$0xFFFFFFE0]  }
0x65: {  	v2 =	vld [tilespmem:s30+$0xFFFFFFE0]  }
0x66: {  	v3 =	vld [tilespmem:s31+$0xFFFFFFE0];
	_ =	sdelay $0x2  }
0x67: {  	v4 =	vshrl.u32 v1, $0xA;
	v5 =	vand.u32 $0x3FF, v1  }
0x68: {  	v2 =	vmul.f32 $5.000000000e-01, v2;
	vm0 =	veq.s32 v4, v0  }
0x69: {  	s28 =	sshra.s32 s6, $0x2;
	v7 =	vshll.u32 v5, $0xA;
	v6 =	vshrl.u32 v3, $0xA;
	v8 =	vand.u32 $0x3FF, v3  }
0x6a: {  	vm1 =	veq.s32 v6, v0;
	[tilespmem:s28+$0x2800] =	vst v1;
	vm2 =	veq.s32 v6, $0x0;
	v1 =	vshll.u32 v8, $0xA  }
0x6b: {  	v6 =	vnsel vm1, $0x0, v2;
	vm1 =	veq.s32 v4, $0x0;
	v2 =	vnsel vm0, $0x0, v2;
	[tilespmem:s28+$0x2840] =	vst v3  }
0x6c: {  	v4 =	vor.u32 v8, v7;
	v1 =	vor.u32 v5, v1;
	v3 =	vnsel vm1, $0x0, v6;
	[tilespmem:s28+$0x5840] =	vst v2  }
0x6d: {  	v5 =	vnsel vm2, $0x0, v2;
	[tilespmem:s28+$0x1800] =	vst v4;
	v4 =	vsub.f32 v6, v3  }
0x6e: {  	v2 =	vsub.f32 v2, v5;
	[tilespmem:s28+$0x3840] =	vst v5  }
0x6f: {  	[tilespmem:s28+$0x5800] =	vst v6  }
0x70: {  	[tilespmem:s28+$0x3800] =	vst v3  }
0x71: {  	[tilespmem:s28+$0x4840] =	vst v2  }
0x72: {  	[tilespmem:s28+$0x4800] =	vst v4  }
0x73: {  	[tilespmem:s28+$0x1840] =	vst v1  }
0x74: {  	v1 =	vld [tilespmem:s29+$0xFFFFFFF0]  }
0x75: {  	v2 =	vld [tilespmem:s31+$0xFFFFFFF0]  }
0x76: {  	v3 =	vld [tilespmem:s30+$0xFFFFFFF0];
	_ =	sdelay $0x2  }
0x77: {  	v4 =	vshrl.u32 v1, $0xA;
	v5 =	vand.u32 $0x3FF, v1  }
0x78: {  	v6 =	vshrl.u32 v2, $0xA;
	v7 =	vand.u32 $0x3FF, v2;
	vm0 =	veq.s32 v4, v0  }
0x79: {  	vm1 =	veq.s32 v6, v0;
	v3 =	vmul.f32 $5.000000000e-01, v3;
	[tilespmem:s28+$0x2810] =	vst v1;
	v1 =	vshll.u32 v7, $0xA  }
0x7a: {  	vm2 =	veq.s32 v4, $0x0;
	v4 =	vshll.u32 v5, $0xA;
	v1 =	vor.u32 v5, v1;
	[tilespmem:s28+$0x2850] =	vst v2  }
0x7b: {  	v2 =	vnsel vm1, $0x0, v3;
	v3 =	vnsel vm0, $0x0, v3;
	vm0 =	veq.s32 v6, $0x0;
	[tilespmem:s28+$0x1850] =	vst v1  }
0x7c: {  	v4 =	vor.u32 v7, v4;
	v1 =	vnsel vm2, $0x0, v2;
	v5 =	vnsel vm0, $0x0, v3;
	[tilespmem:s28+$0x5850] =	vst v3  }
0x7d: {  	[tilespmem:s28+$0x1810] =	vst v4;
	v4 =	vsub.f32 v2, v1;
	v3 =	vsub.f32 v3, v5  }
0x7e: {  	[tilespmem:s28+$0x5810] =	vst v2  }
0x7f: {  	[tilespmem:s28+$0x4850] =	vst v3  }
0x80: {  	[tilespmem:s28+$0x3850] =	vst v5  }
0x81: {  	[tilespmem:s28+$0x3810] =	vst v1  }
0x82: {  	[tilespmem:s28+$0x4810] =	vst v4  }
0x83: {  	v1 =	vld [tilespmem:s29+$0x0]  }
0x84: {  	v2 =	vld [tilespmem:s31+$0x0]  }
0x85: {  	v3 =	vld [tilespmem:s30+$0x0];
	_ =	sdelay $0x2  }
0x86: {  	v4 =	vshrl.u32 v1, $0xA;
	[tilespmem:s28+$0x2820] =	vst v1  }
0x87: {  	v5 =	vshrl.u32 v2, $0xA;
	v6 =	vand.u32 $0x3FF, v2;
	vm0 =	veq.s32 v4, v0;
	[tilespmem:s28+$0x2860] =	vst v2  }
0x88: {  	v2 =	vmul.f32 $5.000000000e-01, v3;
	v3 =	vand.u32 $0x3FF, v1;
	v1 =	vshll.u32 v6, $0xA  }
0x89: {  	vm2 =	veq.s32 v4, $0x0;
	vm1 =	veq.s32 v5, v0;
	v4 =	vor.u32 v3, v1  }
0x8a: {  	v7 =	vnsel vm1, $0x0, v2;
	v1 =	vnsel vm0, $0x0, v2;
	vm0 =	veq.s32 v5, $0x0;
	[tilespmem:s28+$0x1860] =	vst v4  }
.Ltmp0:
0x8b: {  	v2 =	vshll.u32 v3, $0xA;
	v4 =	vnsel vm2, $0x0, v7;
	[tilespmem:s28+$0x5820] =	vst v7;
	v3 =	vnsel vm0, $0x0, v1;
	(pc) =	sbr.rel @p1 .LBB2_2-.Ltmp0, $4  }
0x8c: {  	v2 =	vor.u32 v6, v2;
	[tilespmem:s28+$0x3820] =	vst v4;
	v4 =	vsub.f32 v7, v4;
	v5 =	vsub.f32 v1, v3  }
0x8d: {  	[tilespmem:s28+$0x3860] =	vst v3  }
0x8e: {  	[tilespmem:s28+$0x4820] =	vst v4  }
0x8f: {  	[tilespmem:s28+$0x4860] =	vst v5  }
0x90: {  	[tilespmem:s28+$0x5860] =	vst v1  }
0x91: {  	[tilespmem:s28+$0x1820] =	vst v2  }
0x92: {  	v1 =	vld [tilespmem:s16+$0x10]  }
0x93: {  	v2 =	vld [tilespmem:s17+$0x10]  }
0x94: {  	v3 =	vld [tilespmem:s3+$0x10];
	_ =	sdelay $0x3  }
0x95: {  	v4 =	vshrl.u32 v2, $0xA;
	v1 =	vmul.f32 $5.000000000e-01, v1  }
0x96: {  	[tilespmem:s28+$0x2870] =	vst v2;
	v5 =	vshrl.u32 v3, $0xA;
	vm0 =	veq.s32 v4, v0  }
0x97: {  	[tilespmem:s28+$0x2830] =	vst v3;
	v2 =	vand.u32 $0x3FF, v2;
	vm1 =	veq.s32 v5, v0;
	v6 =	vnsel vm0, $0x0, v1  }
0x98: {  	v3 =	vand.u32 $0x3FF, v3;
	v7 =	vshll.u32 v2, $0xA;
	v1 =	vnsel vm1, $0x0, v1;
	[tilespmem:s28+$0x5830] =	vst v6  }
0x99: {  	v63 =	vshll.u32 v3, $0xA;
	v3 =	vor.u32 v3, v7;
	[tilespmem:s28+$0x5870] =	vst v1  }
0x9a: {  	vm14 =	veq.s32 v5, $0x0;
	vm15 =	veq.s32 v4, $0x0;
	v2 =	vor.u32 v2, v63;
	[tilespmem:s28+$0x1870] =	vst v3  }
0x9b: {  	v60 =	vnsel vm14, $0x0, v6;
	v62 =	vnsel vm15, $0x0, v1;
	[tilespmem:s28+$0x1830] =	vst v2  }
0x9c: {  	v61 =	vsub.f32 v6, v60;
	[tilespmem:s28+$0x3870] =	vst v62  }
0x9d: {  	[tilespmem:s28+$0x3830] =	vst v60;
	v1 =	vsub.f32 v1, v62  }
0x9e: {  	[tilespmem:s28+$0x4830] =	vst v61  }
0x9f: {  	s0 =	sadd.s32 $0x2800, s28;
	s31 =	sadd.s32 $0x5800, s28;
	[tilespmem:s28+$0x4870] =	vst v1  }
0xa0: {  	[spmem:s1] =	stream.indirect.scatter.add.f32 [tilespmem:s31], [sflag:$0x2], $0x1, s0, s13, $0xb8;
	[tilespmem:$0x16880] =	vst v63  }
0xa1: {  	_ =	swait.ge [sflag:s22], $0x2000  }
0xa2: {  	[sflag:s22] =	ssyncset.done $0x0  }
0xa3: {  	s6 =	simm.s32 $0x1800;
	[sflag:s22] =	ssyncadd.s32 $0xFFFFE000  }
0xa4: {  	s3 =	simm.s32 $0x3800;
	s0 =	simm.s32 $0x200;
	[bflag:$0x0] =	sbarrier.arrive $0xFFFF  }
.LBB2_4:
0xa5: {  	[spmem:s2] =	stream.indirect.scatter.add.f32 [tilespmem:s3], [sflag:$0x1], $0x1, s6, s13, $0xb8;
	[tilespmem:$0x16880] =	vst v63  }
0xa6: {  	s3 =	smov.u32 s0;
	p1 =	sne.s32 s0, $0x3E00  }
.Ltmp1:
0xa7: {  	s0 =	sadd.s32 $0x200, s0;
	(pc) =	sbr.rel @p1 .LBB2_4-.Ltmp1, $3  }
0xa8: {  	_ =	sdelay $0x1  }
0xa9: {  	s6 =	sshra.s32 s3, $0x2  }
0xaa: {  	s3 =	sadd.s32 $0x3800, s6;
	s6 =	sadd.s32 $0x1800, s6  }
0xab: {  	[spmem:s2] =	stream.indirect.scatter.add.f32 [tilespmem:s3], [sflag:$0x1], $0x1, s6, s13, $0xb8;
	[tilespmem:$0x16880] =	vst v63  }
0xac: {  	_ =	swait.ge [sflag:s23], $0x80  }
0xad: {  	[sflag:s23] =	ssyncset.done $0x0  }
0xae: {  	[sflag:s23] =	ssyncadd.s32 $0xFFFFFF80  }
0xaf: {  	_ =	swait.ge [sflag:s23], $0x80  }
0xb0: {  	[sflag:s23] =	ssyncset.done $0x0  }
0xb1: {  	[sflag:s23] =	ssyncadd.s32 $0xFFFFFF80  }
0xb2: {  	_ =	swait.ge [sflag:s23], $0x80  }
0xb3: {  	[sflag:s23] =	ssyncset.done $0x0  }
0xb4: {  	[sflag:s23] =	ssyncadd.s32 $0xFFFFFF80  }
0xb5: {  	_ =	swait.ge [sflag:s23], $0x80  }
0xb6: {  	[sflag:s23] =	ssyncset.done $0x0  }
0xb7: {  	[sflag:s23] =	ssyncadd.s32 $0xFFFFFF80  }
0xb8: {  	_ =	swait.ge [sflag:s23], $0x80  }
0xb9: {  	[sflag:s23] =	ssyncset.done $0x0  }
0xba: {  	[sflag:s23] =	ssyncadd.s32 $0xFFFFFF80  }
0xbb: {  	_ =	swait.ge [sflag:s23], $0x80  }
0xbc: {  	[sflag:s23] =	ssyncset.done $0x0  }
0xbd: {  	[sflag:s23] =	ssyncadd.s32 $0xFFFFFF80  }
0xbe: {  	_ =	swait.ge [sflag:s23], $0x80  }
0xbf: {  	[sflag:s23] =	ssyncset.done $0x0  }
0xc0: {  	[sflag:s23] =	ssyncadd.s32 $0xFFFFFF80  }
0xc1: {  	_ =	swait.ge [sflag:s23], $0x80  }
0xc2: {  	[sflag:s23] =	ssyncset.done $0x0  }
0xc3: {  	[sflag:s23] =	ssyncadd.s32 $0xFFFFFF80  }
0xc4: {  	_ =	swait.ge [sflag:s23], $0x80  }
0xc5: {  	[sflag:s23] =	ssyncset.done $0x0  }
0xc6: {  	[sflag:s23] =	ssyncadd.s32 $0xFFFFFF80  }
0xc7: {  	_ =	swait.ge [sflag:s23], $0x80  }
0xc8: {  	[sflag:s23] =	ssyncset.done $0x0  }
0xc9: {  	[sflag:s23] =	ssyncadd.s32 $0xFFFFFF80  }
0xca: {  	_ =	swait.ge [sflag:s23], $0x80  }
0xcb: {  	[sflag:s23] =	ssyncset.done $0x0  }
0xcc: {  	[sflag:s23] =	ssyncadd.s32 $0xFFFFFF80  }
0xcd: {  	_ =	swait.ge [sflag:s23], $0x80  }
0xce: {  	[sflag:s23] =	ssyncset.done $0x0  }
0xcf: {  	[sflag:s23] =	ssyncadd.s32 $0xFFFFFF80  }
0xd0: {  	_ =	swait.ge [sflag:s23], $0x80  }
0xd1: {  	[sflag:s23] =	ssyncset.done $0x0  }
0xd2: {  	[sflag:s23] =	ssyncadd.s32 $0xFFFFFF80  }
0xd3: {  	_ =	swait.ge [sflag:s23], $0x80  }
0xd4: {  	[sflag:s23] =	ssyncset.done $0x0  }
0xd5: {  	[sflag:s23] =	ssyncadd.s32 $0xFFFFFF80  }
0xd6: {  	_ =	swait.ge [sflag:s23], $0x80  }
0xd7: {  	[sflag:s23] =	ssyncset.done $0x0  }
0xd8: {  	[sflag:s23] =	ssyncadd.s32 $0xFFFFFF80  }
0xd9: {  	_ =	swait.ge [sflag:s23], $0x80  }
0xda: {  	[sflag:s23] =	ssyncset.done $0x0  }
0xdb: {  	[sflag:s23] =	ssyncadd.s32 $0xFFFFFF80  }
0xdc: {  	_ =	swait.ge [sflag:s23], $0x80  }
0xdd: {  	[sflag:s23] =	ssyncset.done $0x0  }
0xde: {  	[sflag:s23] =	ssyncadd.s32 $0xFFFFFF80  }
0xdf: {  	_ =	swait.ge [sflag:s23], $0x80  }
0xe0: {  	[sflag:s23] =	ssyncset.done $0x0  }
0xe1: {  	[sflag:s23] =	ssyncadd.s32 $0xFFFFFF80  }
0xe2: {  	_ =	swait.ge [sflag:s23], $0x80  }
0xe3: {  	[sflag:s23] =	ssyncset.done $0x0  }
0xe4: {  	[sflag:s23] =	ssyncadd.s32 $0xFFFFFF80  }
0xe5: {  	_ =	swait.ge [sflag:s23], $0x80  }
0xe6: {  	[sflag:s23] =	ssyncset.done $0x0  }
0xe7: {  	[sflag:s23] =	ssyncadd.s32 $0xFFFFFF80  }
0xe8: {  	_ =	swait.ge [sflag:s23], $0x80  }
0xe9: {  	[sflag:s23] =	ssyncset.done $0x0  }
0xea: {  	[sflag:s23] =	ssyncadd.s32 $0xFFFFFF80  }
0xeb: {  	_ =	swait.ge [sflag:s23], $0x80  }
0xec: {  	[sflag:s23] =	ssyncset.done $0x0  }
0xed: {  	[sflag:s23] =	ssyncadd.s32 $0xFFFFFF80  }
0xee: {  	_ =	swait.ge [sflag:s23], $0x80  }
0xef: {  	[sflag:s23] =	ssyncset.done $0x0  }
0xf0: {  	[sflag:s23] =	ssyncadd.s32 $0xFFFFFF80  }
0xf1: {  	_ =	swait.ge [sflag:s23], $0x80  }
0xf2: {  	[sflag:s23] =	ssyncset.done $0x0  }
0xf3: {  	[sflag:s23] =	ssyncadd.s32 $0xFFFFFF80  }
0xf4: {  	_ =	swait.ge [sflag:s23], $0x80  }
0xf5: {  	[sflag:s23] =	ssyncset.done $0x0  }
0xf6: {  	[sflag:s23] =	ssyncadd.s32 $0xFFFFFF80  }
0xf7: {  	_ =	swait.ge [sflag:s23], $0x80  }
0xf8: {  	[sflag:s23] =	ssyncset.done $0x0  }
0xf9: {  	[sflag:s23] =	ssyncadd.s32 $0xFFFFFF80  }
0xfa: {  	_ =	swait.ge [sflag:s23], $0x80  }
0xfb: {  	[sflag:s23] =	ssyncset.done $0x0  }
0xfc: {  	[sflag:s23] =	ssyncadd.s32 $0xFFFFFF80  }
0xfd: {  	_ =	swait.ge [sflag:s23], $0x80  }
0xfe: {  	[sflag:s23] =	ssyncset.done $0x0  }
0xff: {  	[sflag:s23] =	ssyncadd.s32 $0xFFFFFF80  }
0x100: {  	_ =	swait.ge [sflag:s23], $0x80  }
0x101: {  	[sflag:s23] =	ssyncset.done $0x0  }
0x102: {  	[sflag:s23] =	ssyncadd.s32 $0xFFFFFF80  }
0x103: {  	_ =	swait.ge [sflag:s23], $0x80  }
0x104: {  	[sflag:s23] =	ssyncset.done $0x0  }
0x105: {  	[sflag:s23] =	ssyncadd.s32 $0xFFFFFF80  }
0x106: {  	_ =	swait.ge [sflag:s23], $0x80  }
0x107: {  	[sflag:s23] =	ssyncset.done $0x0  }
0x108: {  	[sflag:s23] =	ssyncadd.s32 $0xFFFFFF80  }
0x109: {  	_ =	swait.ge [sflag:s23], $0x80  }
0x10a: {  	[sflag:s23] =	ssyncset.done $0x0  }
0x10b: {  	[sflag:s23] =	ssyncadd.s32 $0xFFFFFF80  }
0x10c: {  	[bflag:$0x0] =	sbarrier.arrive $0xFFFF  }
0x10d: {  	[hbm:s8@s13], [sflag:s18] =	dma.strided [spmem:s21@s24], $0x2000, s23, $0x10   }
0x10e: {  	_ =	swait.ge [sflag:s15], $0x2000  }
0x10f: {  	[sflag:s15] =	ssyncset.done $0x0  }
0x110: {  	[sflag:s15] =	ssyncadd.s32 $0xFFFFE000  }
0x111: {  	[bflag:$0x0] =	sbarrier.arrive $0xFFFF  }
0x112: {  	[spmem:s21], [sflag:s18] =	dma.local [hbm:s4], $0x2000  }
0x113: {  	_ =	swait.ge [sflag:s15], $0x2000  }
0x114: {  	[sflag:s15] =	ssyncset.done $0x0  }
0x115: {  	s0 =	simm.s32 $0x200;
	[sflag:s15] =	ssyncadd.s32 $0xFFFFE000  }
0x116: {  	s3 =	simm.s32 $0x4800;
	s6 =	simm.s32 $0x1800;
	[bflag:$0x0] =	sbarrier.arrive $0xFFFF  }
.LBB2_6:
0x117: {  	[spmem:s2] =	stream.indirect.scatter.add.f32 [tilespmem:s3], [sflag:$0x1], $0x1, s6, s13, $0xb8;
	[tilespmem:$0x16880] =	vst v63  }
0x118: {  	s3 =	smov.u32 s0;
	p1 =	sne.s32 s0, $0x3E00  }
.Ltmp2:
0x119: {  	s0 =	sadd.s32 $0x200, s0;
	(pc) =	sbr.rel @p1 .LBB2_6-.Ltmp2, $3  }
0x11a: {  	_ =	sdelay $0x1  }
0x11b: {  	s6 =	sshra.s32 s3, $0x2  }
0x11c: {  	s3 =	sadd.s32 $0x4800, s6;
	s6 =	sadd.s32 $0x1800, s6  }
0x11d: {  	[spmem:s2] =	stream.indirect.scatter.add.f32 [tilespmem:s3], [sflag:$0x1], $0x1, s6, s13, $0xb8;
	[tilespmem:$0x16880] =	vst v63  }
0x11e: {  	_ =	swait.ge [sflag:s23], $0x80  }
0x11f: {  	[sflag:s23] =	ssyncset.done $0x0  }
0x120: {  	[sflag:s23] =	ssyncadd.s32 $0xFFFFFF80  }
0x121: {  	_ =	swait.ge [sflag:s23], $0x80  }
0x122: {  	[sflag:s23] =	ssyncset.done $0x0  }
0x123: {  	[sflag:s23] =	ssyncadd.s32 $0xFFFFFF80  }
0x124: {  	_ =	swait.ge [sflag:s23], $0x80  }
0x125: {  	[sflag:s23] =	ssyncset.done $0x0  }
0x126: {  	[sflag:s23] =	ssyncadd.s32 $0xFFFFFF80  }
0x127: {  	_ =	swait.ge [sflag:s23], $0x80  }
0x128: {  	[sflag:s23] =	ssyncset.done $0x0  }
0x129: {  	[sflag:s23] =	ssyncadd.s32 $0xFFFFFF80  }
0x12a: {  	_ =	swait.ge [sflag:s23], $0x80  }
0x12b: {  	[sflag:s23] =	ssyncset.done $0x0  }
0x12c: {  	[sflag:s23] =	ssyncadd.s32 $0xFFFFFF80  }
0x12d: {  	_ =	swait.ge [sflag:s23], $0x80  }
0x12e: {  	[sflag:s23] =	ssyncset.done $0x0  }
0x12f: {  	[sflag:s23] =	ssyncadd.s32 $0xFFFFFF80  }
0x130: {  	_ =	swait.ge [sflag:s23], $0x80  }
0x131: {  	[sflag:s23] =	ssyncset.done $0x0  }
0x132: {  	[sflag:s23] =	ssyncadd.s32 $0xFFFFFF80  }
0x133: {  	_ =	swait.ge [sflag:s23], $0x80  }
0x134: {  	[sflag:s23] =	ssyncset.done $0x0  }
0x135: {  	[sflag:s23] =	ssyncadd.s32 $0xFFFFFF80  }
0x136: {  	_ =	swait.ge [sflag:s23], $0x80  }
0x137: {  	[sflag:s23] =	ssyncset.done $0x0  }
0x138: {  	[sflag:s23] =	ssyncadd.s32 $0xFFFFFF80  }
0x139: {  	_ =	swait.ge [sflag:s23], $0x80  }
0x13a: {  	[sflag:s23] =	ssyncset.done $0x0  }
0x13b: {  	[sflag:s23] =	ssyncadd.s32 $0xFFFFFF80  }
0x13c: {  	_ =	swait.ge [sflag:s23], $0x80  }
0x13d: {  	[sflag:s23] =	ssyncset.done $0x0  }
0x13e: {  	[sflag:s23] =	ssyncadd.s32 $0xFFFFFF80  }
0x13f: {  	_ =	swait.ge [sflag:s23], $0x80  }
0x140: {  	[sflag:s23] =	ssyncset.done $0x0  }
0x141: {  	[sflag:s23] =	ssyncadd.s32 $0xFFFFFF80  }
0x142: {  	_ =	swait.ge [sflag:s23], $0x80  }
0x143: {  	[sflag:s23] =	ssyncset.done $0x0  }
0x144: {  	[sflag:s23] =	ssyncadd.s32 $0xFFFFFF80  }
0x145: {  	_ =	swait.ge [sflag:s23], $0x80  }
0x146: {  	[sflag:s23] =	ssyncset.done $0x0  }
0x147: {  	[sflag:s23] =	ssyncadd.s32 $0xFFFFFF80  }
0x148: {  	_ =	swait.ge [sflag:s23], $0x80  }
0x149: {  	[sflag:s23] =	ssyncset.done $0x0  }
0x14a: {  	[sflag:s23] =	ssyncadd.s32 $0xFFFFFF80  }
0x14b: {  	_ =	swait.ge [sflag:s23], $0x80  }
0x14c: {  	[sflag:s23] =	ssyncset.done $0x0  }
0x14d: {  	[sflag:s23] =	ssyncadd.s32 $0xFFFFFF80  }
0x14e: {  	_ =	swait.ge [sflag:s23], $0x80  }
0x14f: {  	[sflag:s23] =	ssyncset.done $0x0  }
0x150: {  	[sflag:s23] =	ssyncadd.s32 $0xFFFFFF80  }
0x151: {  	_ =	swait.ge [sflag:s23], $0x80  }
0x152: {  	[sflag:s23] =	ssyncset.done $0x0  }
0x153: {  	[sflag:s23] =	ssyncadd.s32 $0xFFFFFF80  }
0x154: {  	_ =	swait.ge [sflag:s23], $0x80  }
0x155: {  	[sflag:s23] =	ssyncset.done $0x0  }
0x156: {  	[sflag:s23] =	ssyncadd.s32 $0xFFFFFF80  }
0x157: {  	_ =	swait.ge [sflag:s23], $0x80  }
0x158: {  	[sflag:s23] =	ssyncset.done $0x0  }
0x159: {  	[sflag:s23] =	ssyncadd.s32 $0xFFFFFF80  }
0x15a: {  	_ =	swait.ge [sflag:s23], $0x80  }
0x15b: {  	[sflag:s23] =	ssyncset.done $0x0  }
0x15c: {  	[sflag:s23] =	ssyncadd.s32 $0xFFFFFF80  }
0x15d: {  	_ =	swait.ge [sflag:s23], $0x80  }
0x15e: {  	[sflag:s23] =	ssyncset.done $0x0  }
0x15f: {  	[sflag:s23] =	ssyncadd.s32 $0xFFFFFF80  }
0x160: {  	_ =	swait.ge [sflag:s23], $0x80  }
0x161: {  	[sflag:s23] =	ssyncset.done $0x0  }
0x162: {  	[sflag:s23] =	ssyncadd.s32 $0xFFFFFF80  }
0x163: {  	_ =	swait.ge [sflag:s23], $0x80  }
0x164: {  	[sflag:s23] =	ssyncset.done $0x0  }
0x165: {  	[sflag:s23] =	ssyncadd.s32 $0xFFFFFF80  }
0x166: {  	_ =	swait.ge [sflag:s23], $0x80  }
0x167: {  	[sflag:s23] =	ssyncset.done $0x0  }
0x168: {  	[sflag:s23] =	ssyncadd.s32 $0xFFFFFF80  }
0x169: {  	_ =	swait.ge [sflag:s23], $0x80  }
0x16a: {  	[sflag:s23] =	ssyncset.done $0x0  }
0x16b: {  	[sflag:s23] =	ssyncadd.s32 $0xFFFFFF80  }
0x16c: {  	_ =	swait.ge [sflag:s23], $0x80  }
0x16d: {  	[sflag:s23] =	ssyncset.done $0x0  }
0x16e: {  	[sflag:s23] =	ssyncadd.s32 $0xFFFFFF80  }
0x16f: {  	_ =	swait.ge [sflag:s23], $0x80  }
0x170: {  	[sflag:s23] =	ssyncset.done $0x0  }
0x171: {  	[sflag:s23] =	ssyncadd.s32 $0xFFFFFF80  }
0x172: {  	_ =	swait.ge [sflag:s23], $0x80  }
0x173: {  	[sflag:s23] =	ssyncset.done $0x0  }
0x174: {  	[sflag:s23] =	ssyncadd.s32 $0xFFFFFF80  }
0x175: {  	_ =	swait.ge [sflag:s23], $0x80  }
0x176: {  	[sflag:s23] =	ssyncset.done $0x0  }
0x177: {  	[sflag:s23] =	ssyncadd.s32 $0xFFFFFF80  }
0x178: {  	_ =	swait.ge [sflag:s23], $0x80  }
0x179: {  	[sflag:s23] =	ssyncset.done $0x0  }
0x17a: {  	[sflag:s23] =	ssyncadd.s32 $0xFFFFFF80  }
0x17b: {  	_ =	swait.ge [sflag:s23], $0x80  }
0x17c: {  	[sflag:s23] =	ssyncset.done $0x0  }
0x17d: {  	[sflag:s23] =	ssyncadd.s32 $0xFFFFFF80  }
0x17e: {  	[bflag:$0x0] =	sbarrier.arrive $0xFFFF  }
0x17f: {  	[hbm:s10@s13], [sflag:s18] =	dma.strided [spmem:s21@s24], $0x2000, s23, $0x10   }
0x180: {  	_ =	swait.ge [sflag:s15], $0x2000  }
0x181: {  	[sflag:s15] =	ssyncset.done $0x0  }
0x182: {  	[sflag:s15] =	ssyncadd.s32 $0xFFFFE000  }
0x183: {  	[bflag:$0x0] =	sbarrier.arrive $0xFFFF  }
0x184: {  	_ =	swait.ge [sflag:s25], $0x80  }
0x185: {  	[sflag:s25] =	ssyncset.done $0x0  }
0x186: {  	[sflag:s25] =	ssyncadd.s32 $0xFFFFFF80  }
0x187: {  	_ =	swait.ge [sflag:s25], $0x80  }
0x188: {  	[sflag:s25] =	ssyncset.done $0x0  }
0x189: {  	[sflag:s25] =	ssyncadd.s32 $0xFFFFFF80  }
0x18a: {  	_ =	swait.ge [sflag:s25], $0x80  }
0x18b: {  	[sflag:s25] =	ssyncset.done $0x0  }
0x18c: {  	[sflag:s25] =	ssyncadd.s32 $0xFFFFFF80  }
0x18d: {  	_ =	swait.ge [sflag:s25], $0x80  }
0x18e: {  	[sflag:s25] =	ssyncset.done $0x0  }
0x18f: {  	[sflag:s25] =	ssyncadd.s32 $0xFFFFFF80  }
0x190: {  	_ =	swait.ge [sflag:s25], $0x80  }
0x191: {  	[sflag:s25] =	ssyncset.done $0x0  }
0x192: {  	[sflag:s25] =	ssyncadd.s32 $0xFFFFFF80  }
0x193: {  	_ =	swait.ge [sflag:s25], $0x80  }
0x194: {  	[sflag:s25] =	ssyncset.done $0x0  }
0x195: {  	[sflag:s25] =	ssyncadd.s32 $0xFFFFFF80  }
0x196: {  	_ =	swait.ge [sflag:s25], $0x80  }
0x197: {  	[sflag:s25] =	ssyncset.done $0x0  }
0x198: {  	[sflag:s25] =	ssyncadd.s32 $0xFFFFFF80  }
0x199: {  	_ =	swait.ge [sflag:s25], $0x80  }
0x19a: {  	[sflag:s25] =	ssyncset.done $0x0  }
0x19b: {  	[sflag:s25] =	ssyncadd.s32 $0xFFFFFF80  }
0x19c: {  	_ =	swait.ge [sflag:s25], $0x80  }
0x19d: {  	[sflag:s25] =	ssyncset.done $0x0  }
0x19e: {  	[sflag:s25] =	ssyncadd.s32 $0xFFFFFF80  }
0x19f: {  	_ =	swait.ge [sflag:s25], $0x80  }
0x1a0: {  	[sflag:s25] =	ssyncset.done $0x0  }
0x1a1: {  	[sflag:s25] =	ssyncadd.s32 $0xFFFFFF80  }
0x1a2: {  	_ =	swait.ge [sflag:s25], $0x80  }
0x1a3: {  	[sflag:s25] =	ssyncset.done $0x0  }
0x1a4: {  	[sflag:s25] =	ssyncadd.s32 $0xFFFFFF80  }
0x1a5: {  	_ =	swait.ge [sflag:s25], $0x80  }
0x1a6: {  	[sflag:s25] =	ssyncset.done $0x0  }
0x1a7: {  	[sflag:s25] =	ssyncadd.s32 $0xFFFFFF80  }
0x1a8: {  	_ =	swait.ge [sflag:s25], $0x80  }
0x1a9: {  	[sflag:s25] =	ssyncset.done $0x0  }
0x1aa: {  	[sflag:s25] =	ssyncadd.s32 $0xFFFFFF80  }
0x1ab: {  	_ =	swait.ge [sflag:s25], $0x80  }
0x1ac: {  	[sflag:s25] =	ssyncset.done $0x0  }
0x1ad: {  	[sflag:s25] =	ssyncadd.s32 $0xFFFFFF80  }
0x1ae: {  	_ =	swait.ge [sflag:s25], $0x80  }
0x1af: {  	[sflag:s25] =	ssyncset.done $0x0  }
0x1b0: {  	[sflag:s25] =	ssyncadd.s32 $0xFFFFFF80  }
0x1b1: {  	_ =	swait.ge [sflag:s25], $0x80  }
0x1b2: {  	[sflag:s25] =	ssyncset.done $0x0  }
0x1b3: {  	[sflag:s25] =	ssyncadd.s32 $0xFFFFFF80  }
0x1b4: {  	_ =	swait.ge [sflag:s25], $0x80  }
0x1b5: {  	[sflag:s25] =	ssyncset.done $0x0  }
0x1b6: {  	[sflag:s25] =	ssyncadd.s32 $0xFFFFFF80  }
0x1b7: {  	_ =	swait.ge [sflag:s25], $0x80  }
0x1b8: {  	[sflag:s25] =	ssyncset.done $0x0  }
0x1b9: {  	[sflag:s25] =	ssyncadd.s32 $0xFFFFFF80  }
0x1ba: {  	_ =	swait.ge [sflag:s25], $0x80  }
0x1bb: {  	[sflag:s25] =	ssyncset.done $0x0  }
0x1bc: {  	[sflag:s25] =	ssyncadd.s32 $0xFFFFFF80  }
0x1bd: {  	_ =	swait.ge [sflag:s25], $0x80  }
0x1be: {  	[sflag:s25] =	ssyncset.done $0x0  }
0x1bf: {  	[sflag:s25] =	ssyncadd.s32 $0xFFFFFF80  }
0x1c0: {  	_ =	swait.ge [sflag:s25], $0x80  }
0x1c1: {  	[sflag:s25] =	ssyncset.done $0x0  }
0x1c2: {  	[sflag:s25] =	ssyncadd.s32 $0xFFFFFF80  }
0x1c3: {  	_ =	swait.ge [sflag:s25], $0x80  }
0x1c4: {  	[sflag:s25] =	ssyncset.done $0x0  }
0x1c5: {  	[sflag:s25] =	ssyncadd.s32 $0xFFFFFF80  }
0x1c6: {  	_ =	swait.ge [sflag:s25], $0x80  }
0x1c7: {  	[sflag:s25] =	ssyncset.done $0x0  }
0x1c8: {  	[sflag:s25] =	ssyncadd.s32 $0xFFFFFF80  }
0x1c9: {  	_ =	swait.ge [sflag:s25], $0x80  }
0x1ca: {  	[sflag:s25] =	ssyncset.done $0x0  }
0x1cb: {  	[sflag:s25] =	ssyncadd.s32 $0xFFFFFF80  }
0x1cc: {  	_ =	swait.ge [sflag:s25], $0x80  }
0x1cd: {  	[sflag:s25] =	ssyncset.done $0x0  }
0x1ce: {  	[sflag:s25] =	ssyncadd.s32 $0xFFFFFF80  }
0x1cf: {  	_ =	swait.ge [sflag:s25], $0x80  }
0x1d0: {  	[sflag:s25] =	ssyncset.done $0x0  }
0x1d1: {  	[sflag:s25] =	ssyncadd.s32 $0xFFFFFF80  }
0x1d2: {  	_ =	swait.ge [sflag:s25], $0x80  }
0x1d3: {  	[sflag:s25] =	ssyncset.done $0x0  }
0x1d4: {  	[sflag:s25] =	ssyncadd.s32 $0xFFFFFF80  }
0x1d5: {  	_ =	swait.ge [sflag:s25], $0x80  }
0x1d6: {  	[sflag:s25] =	ssyncset.done $0x0  }
0x1d7: {  	[sflag:s25] =	ssyncadd.s32 $0xFFFFFF80  }
0x1d8: {  	_ =	swait.ge [sflag:s25], $0x80  }
0x1d9: {  	[sflag:s25] =	ssyncset.done $0x0  }
0x1da: {  	[sflag:s25] =	ssyncadd.s32 $0xFFFFFF80  }
0x1db: {  	_ =	swait.ge [sflag:s25], $0x80  }
0x1dc: {  	[sflag:s25] =	ssyncset.done $0x0  }
0x1dd: {  	[sflag:s25] =	ssyncadd.s32 $0xFFFFFF80  }
0x1de: {  	_ =	swait.ge [sflag:s25], $0x80  }
0x1df: {  	[sflag:s25] =	ssyncset.done $0x0  }
0x1e0: {  	[sflag:s25] =	ssyncadd.s32 $0xFFFFFF80  }
0x1e1: {  	_ =	swait.ge [sflag:s25], $0x80  }
0x1e2: {  	s0 =	sshrl.u32 @!p0 s1, $0x3;
	s3 =	simm.s32 @!p0 $0x1;
	[sflag:s25] =	ssyncset.done $0x0  }
0x1e3: {  	s6 =	simm.s32 @!p0 $0x20;
	s26 =	sadd.s32 $0x1, s26;
	[sflag:s25] =	ssyncadd.s32 $0xFFFFFF80  }
0x1e4: {  	s7 =	simm.s32 @!p0 $0x10;
	p1 =	sne.s32 s26, s12;
	[bflag:$0x0] =	sbarrier.arrive $0xFFFF  }
0x1e5: {  	[hbm:s11@s6], [sflag:s18] =	dma.strided @!p0 [spmem:s0@s7], $0x100, s3, $0x10   }
.Ltmp3:
0x1e6: {  	_ = 	snop;
	(pc) =	sbr.rel @p1 .LBB2_1-.Ltmp3, $4  }
0x1e7: {  	s0 =	simm.s32 @!p0 $0x4  }
0x1e8: {  	_ =	swait.ge @!p0 [sflag:s0], $0x100  }
0x1e9: {  	[sflag:s0] =	ssyncset.done @!p0 $0x0  }
0x1ea: {  	[sflag:s0] =	ssyncadd.s32 @!p0 $0xFFFFFF00  }
0x1eb: {  	_ =	sfence.sel $0x180000  }
0x1ec: {  	[bflag:$0x0] =	sbarrier.arrive $0xFFFF  }
0x1ed: {  	_ =	strace $0x90000047  }
0x1ee: {  	[bflag:$0x2] =	sbarrier.arrive $0xFFFF  }
0x1ef: {  	s0 =	rddreg [dreg:$0x6]  }
0x1f0: {  	s0 =	sadd.s32 @!p0 $0x100000, s0  }
0x1f1: {  	[sflag:s0] =	ssyncadd.tile.s32 @!p0 $0x1;
	_ =	shalt  }
.Lfunc_end2:
_tile_overlayer_lowered:
.L_overlay_start_2:
0x1f2: {  	(tag) =	ssettag $0x2  }
0x1f3: {  	s0 =	rddreg [dreg:$0x0];
	s2 =	stileid.u32  }
0x1f4: {  	s1 =	rddreg [dreg:$0x1];
	p0 =	sne.s32 s2, $0x0  }
0x1f5: {  	s3 =	rddreg [dreg:$0x2];
	[bflag:$0x3] =	sbarrier.arrive $0xFFFF;
	s2 =	simm.s32 @!p0 $0x1C04  }
0x1f6: {  	[timem:s3], [sflag:s2] =	dma.local @!p0 [hbm:s0], s1  }
0x1f7: {  	s0 =	simm.s32 @!p0 $0x4  }
0x1f8: {  	_ =	swait.ge @!p0 [sflag:s0], s1  }
0x1f9: {  	s1 =	ssub.s32 @!p0 $0x0, s1;
	[sflag:s0] =	ssyncset.done @!p0 $0x0  }
0x1fa: {  	[sflag:s0] =	ssyncadd.s32 @!p0 s1  }
0x1fb: {  	[bflag:$0x3] =	sbarrier.arrive $0xFFFF  }
0x1fc: {  	_ =	shalt  }

</sc_bundles>
